<compile_context>
chip_gen: v7x
topology: tpu7x:2x2x1
jax: 0.10.2.dev20260603
libtpu: 0.0.44.dev20260713+nightly
codegen_flags: <defaults>
</compile_context>

<pallas_src>
import functools
import math

import jax
import jax.numpy as jnp
from jax import lax
from jax.experimental import pallas as pl
from jax.experimental.pallas import tpu as pltpu
from jax.experimental.pallas import tpu_sc as plsc

D = 2048
NTOK = 256
LQ = 48
S = 2 * NTOK + LQ
SD = math.sqrt(D)
NROWS = 192
P = 14
G = 16


def _sc_gather(table, lt_flat):
    nw = 6
    b_per_w = NROWS // nw
    mesh = plsc.VectorSubcoreMesh(core_axis_name="c", subcore_axis_name="s",
                                  num_cores=1)

    @functools.partial(
        pl.kernel,
        mesh=mesh,
        out_type=jax.ShapeDtypeStruct((NROWS, D), jnp.float32),
        scratch_types=[
            pltpu.VMEM((b_per_w,), jnp.int32),
            pltpu.VMEM((b_per_w, D), jnp.float32),
            pltpu.SemaphoreType.DMA,
        ],
    )
    def k(table_hbm, idx_hbm, out_hbm, idx_v, rows_v, sem):
        wid = lax.axis_index("s")

        @pl.when(wid < nw)
        def _():
            base = wid * b_per_w
            pltpu.sync_copy(idx_hbm.at[pl.ds(base, b_per_w)], idx_v)
            pltpu.async_copy(table_hbm.at[idx_v], rows_v, sem).wait()
            pltpu.sync_copy(rows_v, out_hbm.at[pl.ds(base, b_per_w)])

    return k(table, lt_flat)


def _prep_body(wq_ref, wk_ref, pos560_ref, qe_ref, u_ref, xq_ref,
               wq_v, wk_v, wq_sem, wk_sem):
    cpq = pltpu.make_async_copy(wq_ref, wq_v, wq_sem)
    cpq.start()
    cpk = pltpu.make_async_copy(wk_ref, wk_v, wk_sem)
    cpk.start()
    xq = qe_ref[...] + pos560_ref[0:1, :]
    cpq.wait()
    q = lax.dot_general(xq, wq_v[...], (((1,), (0,)), ((), ())),
                        preferred_element_type=jnp.float32)
    cpk.wait()
    u = lax.dot_general(q, wk_v[...], (((1,), (1,)), ((), ())),
                        preferred_element_type=jnp.float32)
    u_ref[...] = u
    xq_ref[...] = xq


def _dot(a, b, dims, prec=None):
    return lax.dot_general(a, b, (dims, ((), ())),
                           precision=prec,
                           preferred_element_type=jnp.float32)


def _merge_minor(x):
    return jnp.concatenate([x[..., i, :] for i in range(x.shape[-2])],
                           axis=-1)


def _split_minor(x, a, b):
    return jnp.stack([x[..., i * b:(i + 1) * b] for i in range(a)], axis=-2)


def _main_body(u_ref, xq_ref, wimg_ref, pos_ref, im0_ref, imv0_ref, im1_ref,
               imv1_ref, rows_ref, qe_ref, wv_ref, out_ref,
               pos_v, rows_v, wv_vmem, pos_sem, rows_sem, wv_sem):
    pos_cp = pltpu.make_async_copy(pos_ref.at[pl.ds(0, S + 8), :], pos_v,
                                   pos_sem)
    pos_cp.start()
    rows_cp = pltpu.make_async_copy(rows_ref, rows_v, rows_sem)
    rows_cp.start()
    wv_cp = pltpu.make_async_copy(wv_ref, wv_vmem, wv_sem)
    wv_cp.start()
    u = u_ref[...]
    wu = _dot(u, wimg_ref[...], ((1,), (1,)))
    sq = _dot(u, xq_ref[...], ((1,), (1,)))

    y_i = lax.broadcasted_iota(jnp.int32, (G * P, G), 0)
    g_i = lax.broadcasted_iota(jnp.int32, (G * P, G), 1)
    Pm = (y_i // P == g_i).astype(jnp.float32)
    y_j = lax.broadcasted_iota(jnp.int32, (G * P, P), 0)
    p_j = lax.broadcasted_iota(jnp.int32, (G * P, P), 1)
    R = (y_j % P == p_j).astype(jnp.float32)

    w224 = []
    for c in range(3):
        wu3c = _split_minor(wu[0, c * P * P:(c + 1) * P * P], P, P)
        a = _dot(R, wu3c, ((1,), (0,)))
        w224.append(_dot(a, R, ((1,), (1,))))

    def img_scores(im_ref):
        im = im_ref[...]
        prod = (im[:, 0] * w224[0][None] + im[:, 1] * w224[1][None]
                + im[:, 2] * w224[2][None])
        s1 = _dot(prod, Pm, ((1,), (0,)))
        s2 = _dot(s1, Pm, ((1,), (0,)))
        return _merge_minor(s2)

    s_s0 = jnp.concatenate([img_scores(im0_ref), img_scores(imv0_ref)], 0)
    s_s1 = jnp.concatenate([img_scores(im1_ref), img_scores(imv1_ref)], 0)

    pos_cp.wait()
    pos = pos_v[0:S + 1, :]
    ps = _dot(u, pos, ((1,), (1,)))
    rows_cp.wait()

    sl_rows = []
    for i in range(4):
        ri = rows_v[pl.ds(i * LQ, LQ), :]
        sl_rows.append(_dot(u, ri, ((1,), (1,))))
    s_lang = jnp.concatenate(sl_rows + sl_rows, 0)

    raw = jnp.concatenate(
        [s_s0 * SD + ps[:, :NTOK],
         s_s1 * SD + ps[:, NTOK:2 * NTOK],
         s_lang * SD + ps[:, 2 * NTOK:S],
         jnp.broadcast_to(sq, (8, 1))], axis=1) / SD
    m = jnp.max(raw, axis=1, keepdims=True)
    e = jnp.exp(raw - m)
    w = e / jnp.sum(e, axis=1, keepdims=True)

    def img_ctx(im_ref, w256):
        im = im_ref[...]
        w3 = _split_minor(w256, G, G)
        a = _dot(w3, Pm, ((1,), (1,)))
        wmap = _dot(a, Pm, ((1,), (1,)))
        acc = None
        for c in range(3):
            wpc = im[:, c] * wmap
            t1 = _dot(wpc, R, ((1,), (0,)))
            t2 = _dot(t1, R, ((1,), (0,)))
            t2f = _merge_minor(t2)
            wc = wimg_ref[pl.ds(c * P * P, P * P), :]
            part = _dot(t2f, wc, ((1,), (0,)))
            acc = part if acc is None else acc + part
        return acc

    ctx_top = img_ctx(im0_ref, w[0:4, :NTOK]) \
        + img_ctx(im1_ref, w[0:4, NTOK:2 * NTOK])
    ctx_bot = img_ctx(imv0_ref, w[4:8, :NTOK]) \
        + img_ctx(imv1_ref, w[4:8, NTOK:2 * NTOK])
    ctx1 = jnp.concatenate([ctx_top, ctx_bot], 0)

    c2_rows = []
    for i in range(8):
        ri = rows_v[pl.ds((i % 4) * LQ, LQ), :]
        c2_rows.append(_dot(w[i:i + 1, 2 * NTOK:S], ri, ((1,), (0,))))
    ctx2 = jnp.concatenate(c2_rows, 0)

    ctx3 = _dot(w, pos, ((1,), (0,)))
    ctx = (ctx1 + ctx2) * SD + ctx3 + w[:, S:S + 1] * qe_ref[...]
    wv_cp.wait()
    out_ref[...] = _dot(ctx, wv_vmem[...], ((1,), (0,)))


def _tc_prep(Wq, Wk, pos_table, qe):
    return pl.pallas_call(
        _prep_body,
        grid=(1,),
        in_specs=[
            pl.BlockSpec(memory_space=pl.ANY),
            pl.BlockSpec(memory_space=pl.ANY),
            pl.BlockSpec((8, D), lambda i: (S // 8, 0)),
            pl.BlockSpec((1, D), lambda i: (0, 0)),
        ],
        out_shape=(jax.ShapeDtypeStruct((1, D), jnp.float32),
                   jax.ShapeDtypeStruct((1, D), jnp.float32)),
        out_specs=(pl.BlockSpec((1, D), lambda i: (0, 0)),
                   pl.BlockSpec((1, D), lambda i: (0, 0))),
        scratch_shapes=[pltpu.VMEM((D, D), jnp.float32),
                        pltpu.VMEM((D, D), jnp.float32),
                        pltpu.SemaphoreType.DMA,
                        pltpu.SemaphoreType.DMA],
    )(Wq, Wk, pos_table, qe)


def _tc_main(u, xq, W_img, pos_table, im0, imv0, im1, imv1, rows, qe, Wv):
    ims = (im0, imv0, im1, imv1)
    return pl.pallas_call(
        _main_body,
        grid=(1,),
        in_specs=[
            pl.BlockSpec((1, D), lambda i: (0, 0)),
            pl.BlockSpec((1, D), lambda i: (0, 0)),
            pl.BlockSpec((588, D), lambda i: (0, 0)),
            pl.BlockSpec(memory_space=pl.ANY),
        ] + [pl.BlockSpec((4, 3, 224, 224), lambda i: (0, 0, 0, 0))] * 4 + [
            pl.BlockSpec(memory_space=pl.ANY),
            pl.BlockSpec((1, D), lambda i: (0, 0)),
            pl.BlockSpec(memory_space=pl.ANY),
        ],
        out_shape=jax.ShapeDtypeStruct((8, D), jnp.float32),
        out_specs=pl.BlockSpec((8, D), lambda i: (0, 0)),
        scratch_shapes=[pltpu.VMEM((S + 8, D), jnp.float32),
                        pltpu.VMEM((NROWS, D), jnp.float32),
                        pltpu.VMEM((D, D), jnp.float32),
                        pltpu.SemaphoreType.DMA,
                        pltpu.SemaphoreType.DMA,
                        pltpu.SemaphoreType.DMA],
    )(u, xq, W_img, pos_table, *ims, rows, qe, Wv)


def kernel(img0, img1, vqh_img0, vqh_img1, img_mask0, img_mask1,
           vqh_img_mask0, vqh_img_mask1, lang_tokens, lang_masks, actions,
           rewards, mc_returns, masks, W_img, lang_table, Wq, Wk, Wv,
           pos_table, query_embedding):
    lt_flat = lang_tokens.astype(jnp.int32).reshape(-1)
    rows = _sc_gather(lang_table, lt_flat)

    qe = query_embedding[None]
    u, xq = _tc_prep(Wq, Wk, pos_table, qe)
    return _tc_main(u, xq, W_img, pos_table, img0, vqh_img0, img1, vqh_img1,
                    rows, qe, Wv)

# --- scband reference (transcript-rebuilt; emitter-appended) ---
"""Pipeline reference for scband-value-query-head-66554813219430 (READ-ONLY COPY).

The authoritative reference and input builder live on the scoring server;
editing this copy changes nothing except your own understanding.
"""

import jax, jax.numpy as jnp
import numpy as np

D = 2048; P = 14; G = 16; NTOK = 256; VOCAB = 32768; B = 4; L = 48; POSMAX = 1024


def patch_embed(img, W):
    b = img.shape[0]
    x = img.reshape(b, 3, G, P, G, P).transpose(0, 2, 4, 1, 3, 5).reshape(b, NTOK, 3 * P * P)
    return x @ W


def setup_inputs(seed: int = 0) -> dict:
    key = jax.random.key(seed)
    ks = jax.random.split(key, 16)
    f = jax.random.normal
    inp = {}
    inp['img0'] = f(ks[0], (B, 3, 224, 224), jnp.float32)
    inp['img1'] = f(ks[1], (B, 3, 224, 224), jnp.float32)
    inp['vqh_img0'] = f(ks[2], (B, 3, 224, 224), jnp.float32)
    inp['vqh_img1'] = f(ks[3], (B, 3, 224, 224), jnp.float32)
    inp['img_mask0'] = jnp.ones((B,), dtype=bool)
    inp['img_mask1'] = jnp.ones((B,), dtype=bool)
    inp['vqh_img_mask0'] = jnp.ones((B,), dtype=bool)
    inp['vqh_img_mask1'] = jnp.ones((B,), dtype=bool)
    inp['lang_tokens'] = jax.random.randint(ks[4], (B, L), 0, VOCAB)
    inp['lang_masks'] = jnp.ones((B, L), dtype=bool)
    inp['actions'] = f(ks[5], (B, 50, 32), jnp.float32)
    inp['rewards'] = f(ks[6], (B,), jnp.float32)
    inp['mc_returns'] = f(ks[7], (B,), jnp.float32)
    inp['masks'] = jnp.ones((B,), jnp.float32)
    inp['W_img'] = f(ks[8], (3 * P * P, D), jnp.float32) * 0.02
    inp['lang_table'] = f(ks[9], (VOCAB, D), jnp.float32) * 0.02
    inp['Wq'] = f(ks[10], (D, D), jnp.float32) * 0.02
    inp['Wk'] = f(ks[11], (D, D), jnp.float32) * 0.02
    inp['Wv'] = f(ks[12], (D, D), jnp.float32) * 0.02
    inp['pos_table'] = f(ks[13], (POSMAX, D), jnp.float32) * 0.02
    inp['query_embedding'] = jnp.zeros((D,), jnp.float32)
    return inp


def reference(img0, img1, vqh_img0, vqh_img1, img_mask0, img_mask1, vqh_img_mask0,
              vqh_img_mask1, lang_tokens, lang_masks, actions, rewards, mc_returns,
              masks, W_img, lang_table, Wq, Wk, Wv, pos_table, query_embedding):
    # process_next_obs: concat current and next obs along batch
    imgs = [jnp.concatenate([img0, vqh_img0], 0), jnp.concatenate([img1, vqh_img1], 0)]
    imasks = [jnp.concatenate([img_mask0, vqh_img_mask0], 0), jnp.concatenate([img_mask1, vqh_img_mask1], 0)]
    lt = jnp.concatenate([lang_tokens, lang_tokens], 0)
    lm = jnp.concatenate([lang_masks, lang_masks], 0)
    bsz = lt.shape[0]
    # embed_prefix
    embs = []
    pads = []
    for im, m in zip(imgs, imasks):
        e = patch_embed(im, W_img) * np.sqrt(D)
        embs.append(e)
        pads.append(jnp.broadcast_to(m[:, None], (bsz, NTOK)))
    le = jax.lax.stop_gradient(jnp.take(lang_table, lt, axis=0)) * np.sqrt(D)
    embs.append(le)
    pads.append(lm)
    embs = jnp.concatenate(embs, 1)
    pad = jnp.concatenate(pads, 1)
    S = embs.shape[1]
    seq_lengths = pad.sum(1).astype(jnp.int32)
    bidx = jnp.arange(bsz)[:, None]
    sidx = jnp.arange(S)[None, :]
    shift = (sidx >= seq_lengths[:, None]).astype(jnp.int32)
    nsi = sidx + shift
    # scatter tokens into expanded buffer, leaving a hole at position seq_lengths
    new_embs = jnp.zeros((bsz, S + 1, D), embs.dtype).at[bidx, nsi].set(embs)
    new_pad = jnp.zeros((bsz, S + 1), dtype=bool).at[bidx, nsi].set(pad)
    ar = jnp.arange(bsz)
    new_embs = new_embs.at[ar, seq_lengths].set(query_embedding)
    new_pad = new_pad.at[ar, seq_lengths].set(True)
    # make_att_2d_masks (all att_masks are 0 -> prefix-lm full attention over valid tokens)
    att = jnp.zeros((bsz, S + 1), jnp.int32)
    cs = jnp.cumsum(att, 1)
    att2d = (cs[:, None, :] <= cs[:, :, None]) & (new_pad[:, None, :] & new_pad[:, :, None])
    pos = jnp.clip(jnp.cumsum(new_pad.astype(jnp.int32), 1) - 1, 0)
    # VQH backbone (single masked attention layer stand-in; original config unavailable)
    x = new_embs + jnp.take(pos_table, pos, axis=0)
    q = x @ Wq
    k = x @ Wk
    v = x @ Wv
    sc = jnp.einsum('bnd,bmd->bnm', q, k) / np.sqrt(D)
    sc = jnp.where(att2d, sc, -1e9)
    out = jnp.einsum('bnm,bmd->bnd', jax.nn.softmax(sc, -1), v)
    # gather query token output per example
    qidx = new_pad.sum(-1).astype(jnp.int32) - 1
    return out[ar, qidx]

if __name__ == "__main__":
    import jax
    _d = setup_inputs()
    print(jax.jit(kernel)(*tuple(_d.values())))

</pallas_src>

<mosaic_0001>
#map = affine_map<(d0, d1) -> (0, 0)>
#map1 = affine_map<(d0, d1) -> (0)>
module attributes {stable_mosaic.version = 14 : i64} {
  func.func @k(%arg0: i32, %arg1: i32, %arg2: memref<32768x2048xf32, #tpu.memory_space<hbm>>, %arg3: memref<192xi32, #tpu.memory_space<hbm>>, %arg4: memref<192x2048xf32, #tpu.memory_space<hbm>>, %arg5: memref<32xi32, #tpu.memory_space<vmem>>, %arg6: memref<32x2048xf32, #tpu.memory_space<vmem>>, %arg7: memref<!tpu.dma_semaphore, #tpu.memory_space<semaphore_mem>>) attributes {dimension_semantics = [#tpu.dimension_semantics<core_parallel>, #tpu.dimension_semantics<subcore_parallel>], iteration_bounds = array<i64: 1, 16>, scalar_prefetch = 0 : i64, scratch_operands = 3 : i64, tpu.core_type = #tpu.core_type<sc_vector_subcore>, window_params = [{transform_indices = #map}, {transform_indices = #map1}, {transform_indices = #map}]} {
    %lt3A = arith.constant 6 : i32
    %lt3A_0 = arith.cmpi slt, %arg1, %lt3A : i32
    %convert_element_type3A = arith.extui %lt3A_0 : i1 to i32
    %cond3A = arith.constant 0 : i32
    %cond3A_1 = arith.cmpi ne, %convert_element_type3A, %cond3A : i32
    scf.if %cond3A_1 {
      %mul3A = arith.constant 32 : i32
      %mul3A_2 = arith.muli %arg1, %mul3A : i32
      "tpu.region"() ({
        %run_scoped3A = tpu.sem_alloc : memref<!tpu.dma_semaphore, #tpu.memory_space<semaphore_mem>>
        %dma_start3A_7 = tpu.memref_slice %arg3[%mul3A_2] : memref<192xi32, #tpu.memory_space<hbm>> -> memref<32xi32, #tpu.memory_space<hbm>>
        %dma_start3A_8 = tpu.memref_slice %arg3[%mul3A_2] : memref<192xi32, #tpu.memory_space<hbm>> -> memref<32xi32, #tpu.memory_space<hbm>>
        tpu.enqueue_dma source(%dma_start3A_8 : memref<32xi32, #tpu.memory_space<hbm>>) target(%arg5 : memref<32xi32, #tpu.memory_space<vmem>>) target_semaphore(%run_scoped3A : memref<!tpu.dma_semaphore, #tpu.memory_space<semaphore_mem>>)
        %dma_wait3A_9 = tpu.memref_slice %arg3[%mul3A_2] : memref<192xi32, #tpu.memory_space<hbm>> -> memref<32xi32, #tpu.memory_space<hbm>>
        %dma_wait3A_10 = tpu.memref_slice %arg3[%mul3A_2] : memref<192xi32, #tpu.memory_space<hbm>> -> memref<32xi32, #tpu.memory_space<hbm>>
        tpu.wait_dma2 semaphore(%run_scoped3A : memref<!tpu.dma_semaphore, #tpu.memory_space<semaphore_mem>>) src(%dma_wait3A_10 : memref<32xi32, #tpu.memory_space<hbm>>) dst(%arg5 : memref<32xi32, #tpu.memory_space<vmem>>)
        tpu.yield
      }) : () -> ()
      %dma_start3A = arith.constant 0 : i32
      %dma_start3A_3 = arith.constant 0 : i32
      %dma_start3A_4 = tpu.memref_slice %arg2[%dma_start3A, %dma_start3A_3] : memref<32768x2048xf32, #tpu.memory_space<hbm>> -> memref<32768x2048xf32, #tpu.memory_space<hbm>>
      tpu.enqueue_indirect_dma source(%dma_start3A_4 : memref<32768x2048xf32, #tpu.memory_space<hbm>>) target(%arg6 : memref<32x2048xf32, #tpu.memory_space<vmem>>) offsets(%arg5 : memref<32xi32, #tpu.memory_space<vmem>>) semaphore(%arg7 : memref<!tpu.dma_semaphore, #tpu.memory_space<semaphore_mem>>)
      %dma_wait3A = arith.constant 0 : i32
      %dma_wait3A_5 = arith.constant 0 : i32
      %dma_wait3A_6 = tpu.memref_slice %arg2[%dma_wait3A, %dma_wait3A_5] : memref<32768x2048xf32, #tpu.memory_space<hbm>> -> memref<32768x2048xf32, #tpu.memory_space<hbm>>
      tpu.wait_indirect_dma semaphore(%arg7 : memref<!tpu.dma_semaphore, #tpu.memory_space<semaphore_mem>>) src(%dma_wait3A_6 : memref<32768x2048xf32, #tpu.memory_space<hbm>>) dst(%arg6 : memref<32x2048xf32, #tpu.memory_space<vmem>>)
      "tpu.region"() ({
        %run_scoped3A = tpu.sem_alloc : memref<!tpu.dma_semaphore, #tpu.memory_space<semaphore_mem>>
        %dma_start3A_7 = arith.constant 0 : i32
        %dma_start3A_8 = tpu.memref_slice %arg4[%mul3A_2, %dma_start3A_7] : memref<192x2048xf32, #tpu.memory_space<hbm>> -> memref<32x2048xf32, #tpu.memory_space<hbm>>
        %dma_start3A_9 = arith.constant 0 : i32
        %dma_start3A_10 = tpu.memref_slice %arg4[%mul3A_2, %dma_start3A_9] : memref<192x2048xf32, #tpu.memory_space<hbm>> -> memref<32x2048xf32, #tpu.memory_space<hbm>>
        tpu.enqueue_dma source(%arg6 : memref<32x2048xf32, #tpu.memory_space<vmem>>) target(%dma_start3A_10 : memref<32x2048xf32, #tpu.memory_space<hbm>>) target_semaphore(%run_scoped3A : memref<!tpu.dma_semaphore, #tpu.memory_space<semaphore_mem>>)
        %dma_wait3A_11 = arith.constant 0 : i32
        %dma_wait3A_12 = tpu.memref_slice %arg4[%mul3A_2, %dma_wait3A_11] : memref<192x2048xf32, #tpu.memory_space<hbm>> -> memref<32x2048xf32, #tpu.memory_space<hbm>>
        %dma_wait3A_13 = arith.constant 0 : i32
        %dma_wait3A_14 = tpu.memref_slice %arg4[%mul3A_2, %dma_wait3A_13] : memref<192x2048xf32, #tpu.memory_space<hbm>> -> memref<32x2048xf32, #tpu.memory_space<hbm>>
        tpu.wait_dma2 semaphore(%run_scoped3A : memref<!tpu.dma_semaphore, #tpu.memory_space<semaphore_mem>>) src(%arg6 : memref<32x2048xf32, #tpu.memory_space<vmem>>) dst(%dma_wait3A_14 : memref<32x2048xf32, #tpu.memory_space<hbm>>)
        tpu.yield
      }) : () -> ()
    } else {
    }
    return
  }
}

module attributes {stable_mosaic.version = 14 : i64} {
  func.func @_prep_body(%arg0: i32, %arg1: memref<2048x2048xf32, #tpu.memory_space<any>>, %arg2: memref<2048x2048xf32, #tpu.memory_space<any>>, %arg3: memref<8x2048xf32, #tpu.memory_space<vmem>>, %arg4: memref<1x2048xf32, #tpu.memory_space<vmem>>, %arg5: memref<1x2048xf32, #tpu.memory_space<vmem>>, %arg6: memref<1x2048xf32, #tpu.memory_space<vmem>>, %arg7: memref<2048x2048xf32, #tpu.memory_space<vmem>>, %arg8: memref<2048x2048xf32, #tpu.memory_space<vmem>>, %arg9: memref<!tpu.dma_semaphore, #tpu.memory_space<semaphore_mem>>, %arg10: memref<!tpu.dma_semaphore, #tpu.memory_space<semaphore_mem>>) attributes {dimension_semantics = [#tpu.dimension_semantics<arbitrary>], iteration_bounds = array<i64: 1>, scalar_prefetch = 0 : i64, scratch_operands = 4 : i64, tpu.core_type = #tpu.core_type<tc>, window_params = [{}, {}, {transform_indices = @transform_2, window_bounds = array<i64: 8, 2048>}, {pipeline_mode = #tpu.pipeline_mode<synchronous>, transform_indices = @transform_3, window_bounds = array<i64: 1, 2048>}, {pipeline_mode = #tpu.pipeline_mode<synchronous>, transform_indices = @transform_4, window_bounds = array<i64: 1, 2048>}, {pipeline_mode = #tpu.pipeline_mode<synchronous>, transform_indices = @transform_5, window_bounds = array<i64: 1, 2048>}]} {
    tpu.enqueue_dma source(%arg1 : memref<2048x2048xf32, #tpu.memory_space<any>>) target(%arg7 : memref<2048x2048xf32, #tpu.memory_space<vmem>>) target_semaphore(%arg9 : memref<!tpu.dma_semaphore, #tpu.memory_space<semaphore_mem>>)
    tpu.enqueue_dma source(%arg2 : memref<2048x2048xf32, #tpu.memory_space<any>>) target(%arg8 : memref<2048x2048xf32, #tpu.memory_space<vmem>>) target_semaphore(%arg10 : memref<!tpu.dma_semaphore, #tpu.memory_space<semaphore_mem>>)
    %get3A = arith.constant 0 : index
    %get3A_0 = arith.constant 0 : index
    %get3A_1 = vector.load %arg4[%get3A, %get3A_0] : memref<1x2048xf32, #tpu.memory_space<vmem>>, vector<1x2048xf32>
    %get3A_2 = arith.constant 0 : index
    %get3A_3 = arith.constant 0 : index
    %get3A_4 = vector.load %arg3[%get3A_2, %get3A_3] : memref<8x2048xf32, #tpu.memory_space<vmem>>, vector<1x2048xf32>
    %add3A = arith.addf %get3A_1, %get3A_4 : vector<1x2048xf32>
    tpu.wait_dma2 semaphore(%arg9 : memref<!tpu.dma_semaphore, #tpu.memory_space<semaphore_mem>>) src(%arg1 : memref<2048x2048xf32, #tpu.memory_space<any>>) dst(%arg7 : memref<2048x2048xf32, #tpu.memory_space<vmem>>)
    %get3A_5 = arith.constant 0 : index
    %get3A_6 = arith.constant 0 : index
    %get3A_7 = vector.load %arg7[%get3A_5, %get3A_6] : memref<2048x2048xf32, #tpu.memory_space<vmem>>, vector<2048x2048xf32>
    %dot_general3A = arith.constant dense<0.000000e+00> : vector<1x2048xf32>
    %dot_general3A_8 = tpu.matmul %add3A, %get3A_7, %dot_general3A {dimension_numbers = #tpu.dot_dimension_numbers<[1], [0], [0], [1], [0, 0, 1, 1], [], []>, transpose_lhs_hint = false} : vector<1x2048xf32>, vector<2048x2048xf32>, vector<1x2048xf32> -> vector<1x2048xf32>
    tpu.wait_dma2 semaphore(%arg10 : memref<!tpu.dma_semaphore, #tpu.memory_space<semaphore_mem>>) src(%arg2 : memref<2048x2048xf32, #tpu.memory_space<any>>) dst(%arg8 : memref<2048x2048xf32, #tpu.memory_space<vmem>>)
    %get3A_9 = arith.constant 0 : index
    %get3A_10 = arith.constant 0 : index
    %get3A_11 = vector.load %arg8[%get3A_9, %get3A_10] : memref<2048x2048xf32, #tpu.memory_space<vmem>>, vector<2048x2048xf32>
    %dot_general3A_12 = arith.constant dense<0.000000e+00> : vector<1x2048xf32>
    %dot_general3A_13 = tpu.matmul %dot_general3A_8, %get3A_11, %dot_general3A_12 {dimension_numbers = #tpu.dot_dimension_numbers<[1], [1], [0], [0], [0, 0, 1, 0], [], []>, transpose_lhs_hint = false} : vector<1x2048xf32>, vector<2048x2048xf32>, vector<1x2048xf32> -> vector<1x2048xf32>
    %swap3A = arith.constant 0 : index
    %swap3A_14 = arith.constant 0 : index
    %swap3A_15 = vector.load %arg5[%swap3A, %swap3A_14] : memref<1x2048xf32, #tpu.memory_space<vmem>>, vector<1x2048xf32>
    tpu.vector_store %arg5[%swap3A, %swap3A_14], %dot_general3A_13 {strides = array<i32>} : memref<1x2048xf32, #tpu.memory_space<vmem>>, vector<1x2048xf32>,
    %swap3A_16 = arith.constant 0 : index
    %swap3A_17 = arith.constant 0 : index
    %swap3A_18 = vector.load %arg6[%swap3A_16, %swap3A_17] : memref<1x2048xf32, #tpu.memory_space<vmem>>, vector<1x2048xf32>
    tpu.vector_store %arg6[%swap3A_16, %swap3A_17], %add3A {strides = array<i32>} : memref<1x2048xf32, #tpu.memory_space<vmem>>, vector<1x2048xf32>,
    return
  }
  func.func @transform_2(%arg0: i32) -> (i32, i32) {
    %c70_i32 = arith.constant 70 : i32
    %c0_i32 = arith.constant 0 : i32
    %c0_i32_0 = arith.constant 0 : i32
    return %c70_i32, %c0_i32 : i32, i32
  }
  func.func @transform_3(%arg0: i32) -> (i32, i32) {
    %c0_i32 = arith.constant 0 : i32
    %c0_i32_0 = arith.constant 0 : i32
    %c0_i32_1 = arith.constant 0 : i32
    return %c0_i32, %c0_i32_0 : i32, i32
  }
  func.func @transform_4(%arg0: i32) -> (i32, i32) {
    %c0_i32 = arith.constant 0 : i32
    %c0_i32_0 = arith.constant 0 : i32
    %c0_i32_1 = arith.constant 0 : i32
    return %c0_i32, %c0_i32_0 : i32, i32
  }
  func.func @transform_5(%arg0: i32) -> (i32, i32) {
    %c0_i32 = arith.constant 0 : i32
    %c0_i32_0 = arith.constant 0 : i32
    %c0_i32_1 = arith.constant 0 : i32
    return %c0_i32, %c0_i32_0 : i32, i32
  }
}

module attributes {stable_mosaic.version = 14 : i64} {
  func.func @_main_body(%arg0: i32, %arg1: memref<1x2048xf32, #tpu.memory_space<vmem>>, %arg2: memref<1x2048xf32, #tpu.memory_space<vmem>>, %arg3: memref<588x2048xf32, #tpu.memory_space<vmem>>, %arg4: memref<1024x2048xf32, #tpu.memory_space<any>>, %arg5: memref<4x3x224x224xf32, #tpu.memory_space<vmem>>, %arg6: memref<4x3x224x224xf32, #tpu.memory_space<vmem>>, %arg7: memref<4x3x224x224xf32, #tpu.memory_space<vmem>>, %arg8: memref<4x3x224x224xf32, #tpu.memory_space<vmem>>, %arg9: memref<192x2048xf32, #tpu.memory_space<any>>, %arg10: memref<1x2048xf32, #tpu.memory_space<vmem>>, %arg11: memref<2048x2048xf32, #tpu.memory_space<any>>, %arg12: memref<8x2048xf32, #tpu.memory_space<vmem>>, %arg13: memref<568x2048xf32, #tpu.memory_space<vmem>>, %arg14: memref<192x2048xf32, #tpu.memory_space<vmem>>, %arg15: memref<2048x2048xf32, #tpu.memory_space<vmem>>, %arg16: memref<!tpu.dma_semaphore, #tpu.memory_space<semaphore_mem>>, %arg17: memref<!tpu.dma_semaphore, #tpu.memory_space<semaphore_mem>>, %arg18: memref<!tpu.dma_semaphore, #tpu.memory_space<semaphore_mem>>) attributes {dimension_semantics = [#tpu.dimension_semantics<arbitrary>], iteration_bounds = array<i64: 1>, scalar_prefetch = 0 : i64, scratch_operands = 6 : i64, tpu.core_type = #tpu.core_type<tc>, window_params = [{pipeline_mode = #tpu.pipeline_mode<synchronous>, transform_indices = @transform_0, window_bounds = array<i64: 1, 2048>}, {pipeline_mode = #tpu.pipeline_mode<synchronous>, transform_indices = @transform_1, window_bounds = array<i64: 1, 2048>}, {pipeline_mode = #tpu.pipeline_mode<synchronous>, transform_indices = @transform_2, window_bounds = array<i64: 588, 2048>}, {}, {pipeline_mode = #tpu.pipeline_mode<synchronous>, transform_indices = @transform_4, window_bounds = array<i64: 4, 3, 224, 224>}, {pipeline_mode = #tpu.pipeline_mode<synchronous>, transform_indices = @transform_5, window_bounds = array<i64: 4, 3, 224, 224>}, {pipeline_mode = #tpu.pipeline_mode<synchronous>, transform_indices = @transform_6, window_bounds = array<i64: 4, 3, 224, 224>}, {pipeline_mode = #tpu.pipeline_mode<synchronous>, transform_indices = @transform_7, window_bounds = array<i64: 4, 3, 224, 224>}, {}, {pipeline_mode = #tpu.pipeline_mode<synchronous>, transform_indices = @transform_9, window_bounds = array<i64: 1, 2048>}, {}, {pipeline_mode = #tpu.pipeline_mode<synchronous>, transform_indices = @transform_11, window_bounds = array<i64: 8, 2048>}]} {
    %dma_start3A = arith.constant 0 : i32
    %dma_start3A_0 = arith.constant 0 : i32
    %dma_start3A_1 = tpu.memref_slice %arg4[%dma_start3A, %dma_start3A_0] : memref<1024x2048xf32, #tpu.memory_space<any>> -> memref<568x2048xf32, #tpu.memory_space<any>>
    tpu.enqueue_dma source(%dma_start3A_1 : memref<568x2048xf32, #tpu.memory_space<any>>) target(%arg13 : memref<568x2048xf32, #tpu.memory_space<vmem>>) target_semaphore(%arg16 : memref<!tpu.dma_semaphore, #tpu.memory_space<semaphore_mem>>)
    tpu.enqueue_dma source(%arg9 : memref<192x2048xf32, #tpu.memory_space<any>>) target(%arg14 : memref<192x2048xf32, #tpu.memory_space<vmem>>) target_semaphore(%arg17 : memref<!tpu.dma_semaphore, #tpu.memory_space<semaphore_mem>>)
    tpu.enqueue_dma source(%arg11 : memref<2048x2048xf32, #tpu.memory_space<any>>) target(%arg15 : memref<2048x2048xf32, #tpu.memory_space<vmem>>) target_semaphore(%arg18 : memref<!tpu.dma_semaphore, #tpu.memory_space<semaphore_mem>>)
    %get3A = arith.constant 0 : index
    %get3A_2 = arith.constant 0 : index
    %get3A_3 = vector.load %arg1[%get3A, %get3A_2] : memref<1x2048xf32, #tpu.memory_space<vmem>>, vector<1x2048xf32>
    %get3A_4 = arith.constant 0 : index
    %get3A_5 = arith.constant 0 : index
    %get3A_6 = vector.load %arg3[%get3A_4, %get3A_5] : memref<588x2048xf32, #tpu.memory_space<vmem>>, vector<588x2048xf32>
    %dot_general3A = arith.constant dense<0.000000e+00> : vector<1x588xf32>
    %dot_general3A_7 = tpu.matmul %get3A_3, %get3A_6, %dot_general3A {dimension_numbers = #tpu.dot_dimension_numbers<[1], [1], [0], [0], [0, 0, 1, 0], [], []>, transpose_lhs_hint = false} : vector<1x2048xf32>, vector<588x2048xf32>, vector<1x588xf32> -> vector<1x588xf32>
    %get3A_8 = arith.constant 0 : index
    %get3A_9 = arith.constant 0 : index
    %get3A_10 = vector.load %arg2[%get3A_8, %get3A_9] : memref<1x2048xf32, #tpu.memory_space<vmem>>, vector<1x2048xf32>
    %dot_general3A_11 = arith.constant dense<0.000000e+00> : vector<1x1xf32>
    %dot_general3A_12 = tpu.matmul %get3A_3, %get3A_10, %dot_general3A_11 {dimension_numbers = #tpu.dot_dimension_numbers<[1], [1], [0], [0], [0, 0, 1, 0], [], []>, transpose_lhs_hint = false} : vector<1x2048xf32>, vector<1x2048xf32>, vector<1x1xf32> -> vector<1x1xf32>
    %iota3A = tpu.iota {dimensions = array<i32: 0>} : vector<224x16xi32>
    %iota3A_13 = tpu.iota {dimensions = array<i32: 1>} : vector<224x16xi32>
    %jit3A = arith.constant 14 : i32
    %div3A = vector.broadcast %jit3A : i32 to vector<224x16xi32>
    %div3A_14 = arith.divsi %iota3A, %div3A : vector<224x16xi32>
    %sign3A = arith.constant 0 : i32
    %sign3A_15 = vector.broadcast %sign3A : i32 to vector<224x16xi32>
    %sign3A_16 = arith.cmpi sgt, %iota3A, %sign3A_15 : vector<224x16xi32>
    %sign3A_17 = arith.extui %sign3A_16 : vector<224x16xi1> to vector<224x16xi32>
    %sign3A_18 = arith.constant 0 : i32
    %sign3A_19 = vector.broadcast %sign3A_18 : i32 to vector<224x16xi32>
    %sign3A_20 = arith.cmpi slt, %iota3A, %sign3A_19 : vector<224x16xi32>
    %sign3A_21 = arith.extui %sign3A_20 : vector<224x16xi1> to vector<224x16xi32>
    %sign3A_22 = arith.subi %sign3A_17, %sign3A_21 : vector<224x16xi32>
    %sign3A_23 = arith.constant 0 : i32
    %sign3A_24 = arith.cmpi sgt, %jit3A, %sign3A_23 : i32
    %sign3A_25 = arith.extui %sign3A_24 : i1 to i32
    %sign3A_26 = arith.constant 0 : i32
    %sign3A_27 = arith.cmpi slt, %jit3A, %sign3A_26 : i32
    %sign3A_28 = arith.extui %sign3A_27 : i1 to i32
    %sign3A_29 = arith.subi %sign3A_25, %sign3A_28 : i32
    %ne3A = vector.broadcast %sign3A_29 : i32 to vector<224x16xi32>
    %ne3A_30 = arith.cmpi ne, %sign3A_22, %ne3A : vector<224x16xi32>
    %rem3A = vector.broadcast %jit3A : i32 to vector<224x16xi32>
    %rem3A_31 = arith.remsi %iota3A, %rem3A : vector<224x16xi32>
    %ne3A_32 = arith.constant 0 : i32
    %ne3A_33 = vector.broadcast %ne3A_32 : i32 to vector<224x16xi32>
    %ne3A_34 = arith.cmpi ne, %rem3A_31, %ne3A_33 : vector<224x16xi32>
    %and3A = arith.andi %ne3A_30, %ne3A_34 : vector<224x16xi1>
    %sub3A = arith.constant 1 : i32
    %sub3A_35 = vector.broadcast %sub3A : i32 to vector<224x16xi32>
    %sub3A_36 = arith.subi %div3A_14, %sub3A_35 : vector<224x16xi32>
    %select_n3A = arith.select %and3A, %sub3A_36, %div3A_14 : vector<224x16xi1>, vector<224x16xi32>
    %eq3A = arith.cmpi eq, %select_n3A, %iota3A_13 : vector<224x16xi32>
    %convert_element_type3A = arith.extui %eq3A : vector<224x16xi1> to vector<224x16xi32>
    %convert_element_type3A_37 = arith.sitofp %convert_element_type3A : vector<224x16xi32> to vector<224x16xf32>
    %iota3A_38 = tpu.iota {dimensions = array<i32: 0>} : vector<224x14xi32>
    %iota3A_39 = tpu.iota {dimensions = array<i32: 1>} : vector<224x14xi32>
    %jit3A_40 = arith.constant 14 : i32
    %eq3A_41 = arith.constant 0 : i32
    %eq3A_42 = arith.cmpi eq, %jit3A_40, %eq3A_41 : i32
    %jit3A_43 = arith.constant 1 : i32
    %select_n3A_44 = arith.select %eq3A_42, %jit3A_43, %jit3A_40 : i32
    %rem3A_45 = vector.broadcast %select_n3A_44 : i32 to vector<224x14xi32>
    %rem3A_46 = arith.remsi %iota3A_38, %rem3A_45 : vector<224x14xi32>
    %ne3A_47 = arith.constant 0 : i32
    %ne3A_48 = vector.broadcast %ne3A_47 : i32 to vector<224x14xi32>
    %ne3A_49 = arith.cmpi ne, %rem3A_46, %ne3A_48 : vector<224x14xi32>
    %lt3A = arith.constant 0 : i32
    %lt3A_50 = vector.broadcast %lt3A : i32 to vector<224x14xi32>
    %lt3A_51 = arith.cmpi slt, %rem3A_46, %lt3A_50 : vector<224x14xi32>
    %lt3A_52 = arith.constant 0 : i32
    %lt3A_53 = arith.cmpi slt, %select_n3A_44, %lt3A_52 : i32
    %ne3A_54 = vector.broadcast %lt3A_53 : i1 to vector<224x14xi1>
    %ne3A_55 = vector.broadcast %ne3A_54 : vector<224x14xi1> to vector<224x14xi1>
    %ne3A_56 = arith.xori %lt3A_51, %ne3A_55 : vector<224x14xi1>
    %and3A_57 = arith.andi %ne3A_56, %ne3A_49 : vector<224x14xi1>
    %add3A = vector.broadcast %select_n3A_44 : i32 to vector<224x14xi32>
    %add3A_58 = arith.addi %rem3A_46, %add3A : vector<224x14xi32>
    %select_n3A_59 = arith.select %and3A_57, %add3A_58, %rem3A_46 : vector<224x14xi1>, vector<224x14xi32>
    %eq3A_60 = arith.cmpi eq, %select_n3A_59, %iota3A_39 : vector<224x14xi32>
    %convert_element_type3A_61 = arith.extui %eq3A_60 : vector<224x14xi1> to vector<224x14xi32>
    %convert_element_type3A_62 = arith.sitofp %convert_element_type3A_61 : vector<224x14xi32> to vector<224x14xf32>
    %slice3A = vector.extract_strided_slice %dot_general3A_7 {offsets = [0, 0], sizes = [1, 196], strides = [1, 1]} : vector<1x588xf32> to vector<1x196xf32>
    %squeeze3A = vector.shape_cast %slice3A : vector<1x196xf32> to vector<196xf32>
    %slice3A_63 = vector.extract_strided_slice %squeeze3A {offsets = [0], sizes = [14], strides = [1]} : vector<196xf32> to vector<14xf32>
    %slice3A_64 = vector.extract_strided_slice %squeeze3A {offsets = [14], sizes = [14], strides = [1]} : vector<196xf32> to vector<14xf32>
    %slice3A_65 = vector.extract_strided_slice %squeeze3A {offsets = [28], sizes = [14], strides = [1]} : vector<196xf32> to vector<14xf32>
    %slice3A_66 = vector.extract_strided_slice %squeeze3A {offsets = [42], sizes = [14], strides = [1]} : vector<196xf32> to vector<14xf32>
    %slice3A_67 = vector.extract_strided_slice %squeeze3A {offsets = [56], sizes = [14], strides = [1]} : vector<196xf32> to vector<14xf32>
    %slice3A_68 = vector.extract_strided_slice %squeeze3A {offsets = [70], sizes = [14], strides = [1]} : vector<196xf32> to vector<14xf32>
    %slice3A_69 = vector.extract_strided_slice %squeeze3A {offsets = [84], sizes = [14], strides = [1]} : vector<196xf32> to vector<14xf32>
    %slice3A_70 = vector.extract_strided_slice %squeeze3A {offsets = [98], sizes = [14], strides = [1]} : vector<196xf32> to vector<14xf32>
    %slice3A_71 = vector.extract_strided_slice %squeeze3A {offsets = [112], sizes = [14], strides = [1]} : vector<196xf32> to vector<14xf32>
    %slice3A_72 = vector.extract_strided_slice %squeeze3A {offsets = [126], sizes = [14], strides = [1]} : vector<196xf32> to vector<14xf32>
    %slice3A_73 = vector.extract_strided_slice %squeeze3A {offsets = [140], sizes = [14], strides = [1]} : vector<196xf32> to vector<14xf32>
    %slice3A_74 = vector.extract_strided_slice %squeeze3A {offsets = [154], sizes = [14], strides = [1]} : vector<196xf32> to vector<14xf32>
    %slice3A_75 = vector.extract_strided_slice %squeeze3A {offsets = [168], sizes = [14], strides = [1]} : vector<196xf32> to vector<14xf32>
    %slice3A_76 = vector.extract_strided_slice %squeeze3A {offsets = [182], sizes = [14], strides = [1]} : vector<196xf32> to vector<14xf32>
    %stack3A = vector.shape_cast %slice3A_63 : vector<14xf32> to vector<1x14xf32>
    %stack3A_77 = vector.shape_cast %slice3A_64 : vector<14xf32> to vector<1x14xf32>
    %stack3A_78 = vector.shape_cast %slice3A_65 : vector<14xf32> to vector<1x14xf32>
    %stack3A_79 = vector.shape_cast %slice3A_66 : vector<14xf32> to vector<1x14xf32>
    %stack3A_80 = vector.shape_cast %slice3A_67 : vector<14xf32> to vector<1x14xf32>
    %stack3A_81 = vector.shape_cast %slice3A_68 : vector<14xf32> to vector<1x14xf32>
    %stack3A_82 = vector.shape_cast %slice3A_69 : vector<14xf32> to vector<1x14xf32>
    %stack3A_83 = vector.shape_cast %slice3A_70 : vector<14xf32> to vector<1x14xf32>
    %stack3A_84 = vector.shape_cast %slice3A_71 : vector<14xf32> to vector<1x14xf32>
    %stack3A_85 = vector.shape_cast %slice3A_72 : vector<14xf32> to vector<1x14xf32>
    %stack3A_86 = vector.shape_cast %slice3A_73 : vector<14xf32> to vector<1x14xf32>
    %stack3A_87 = vector.shape_cast %slice3A_74 : vector<14xf32> to vector<1x14xf32>
    %stack3A_88 = vector.shape_cast %slice3A_75 : vector<14xf32> to vector<1x14xf32>
    %stack3A_89 = vector.shape_cast %slice3A_76 : vector<14xf32> to vector<1x14xf32>
    %stack3A_90 = tpu.concatenate %stack3A, %stack3A_77, %stack3A_78, %stack3A_79, %stack3A_80, %stack3A_81, %stack3A_82, %stack3A_83, %stack3A_84, %stack3A_85, %stack3A_86, %stack3A_87, %stack3A_88, %stack3A_89 in 0 : vector<1x14xf32>, vector<1x14xf32>, vector<1x14xf32>, vector<1x14xf32>, vector<1x14xf32>, vector<1x14xf32>, vector<1x14xf32>, vector<1x14xf32>, vector<1x14xf32>, vector<1x14xf32>, vector<1x14xf32>, vector<1x14xf32>, vector<1x14xf32>, vector<1x14xf32> -> vector<14x14xf32>
    %dot_general3A_91 = arith.constant dense<0.000000e+00> : vector<224x14xf32>
    %dot_general3A_92 = tpu.matmul %convert_element_type3A_62, %stack3A_90, %dot_general3A_91 {dimension_numbers = #tpu.dot_dimension_numbers<[1], [0], [0], [1], [0, 0, 1, 1], [], []>, transpose_lhs_hint = false} : vector<224x14xf32>, vector<14x14xf32>, vector<224x14xf32> -> vector<224x14xf32>
    %dot_general3A_93 = arith.constant dense<0.000000e+00> : vector<224x224xf32>
    %dot_general3A_94 = tpu.matmul %dot_general3A_92, %convert_element_type3A_62, %dot_general3A_93 {dimension_numbers = #tpu.dot_dimension_numbers<[1], [1], [0], [0], [0, 0, 1, 0], [], []>, transpose_lhs_hint = false} : vector<224x14xf32>, vector<224x14xf32>, vector<224x224xf32> -> vector<224x224xf32>
    %slice3A_95 = vector.extract_strided_slice %dot_general3A_7 {offsets = [0, 196], sizes = [1, 196], strides = [1, 1]} : vector<1x588xf32> to vector<1x196xf32>
    %squeeze3A_96 = vector.shape_cast %slice3A_95 : vector<1x196xf32> to vector<196xf32>
    %slice3A_97 = vector.extract_strided_slice %squeeze3A_96 {offsets = [0], sizes = [14], strides = [1]} : vector<196xf32> to vector<14xf32>
    %slice3A_98 = vector.extract_strided_slice %squeeze3A_96 {offsets = [14], sizes = [14], strides = [1]} : vector<196xf32> to vector<14xf32>
    %slice3A_99 = vector.extract_strided_slice %squeeze3A_96 {offsets = [28], sizes = [14], strides = [1]} : vector<196xf32> to vector<14xf32>
    %slice3A_100 = vector.extract_strided_slice %squeeze3A_96 {offsets = [42], sizes = [14], strides = [1]} : vector<196xf32> to vector<14xf32>
    %slice3A_101 = vector.extract_strided_slice %squeeze3A_96 {offsets = [56], sizes = [14], strides = [1]} : vector<196xf32> to vector<14xf32>
    %slice3A_102 = vector.extract_strided_slice %squeeze3A_96 {offsets = [70], sizes = [14], strides = [1]} : vector<196xf32> to vector<14xf32>
    %slice3A_103 = vector.extract_strided_slice %squeeze3A_96 {offsets = [84], sizes = [14], strides = [1]} : vector<196xf32> to vector<14xf32>
    %slice3A_104 = vector.extract_strided_slice %squeeze3A_96 {offsets = [98], sizes = [14], strides = [1]} : vector<196xf32> to vector<14xf32>
    %slice3A_105 = vector.extract_strided_slice %squeeze3A_96 {offsets = [112], sizes = [14], strides = [1]} : vector<196xf32> to vector<14xf32>
    %slice3A_106 = vector.extract_strided_slice %squeeze3A_96 {offsets = [126], sizes = [14], strides = [1]} : vector<196xf32> to vector<14xf32>
    %slice3A_107 = vector.extract_strided_slice %squeeze3A_96 {offsets = [140], sizes = [14], strides = [1]} : vector<196xf32> to vector<14xf32>
    %slice3A_108 = vector.extract_strided_slice %squeeze3A_96 {offsets = [154], sizes = [14], strides = [1]} : vector<196xf32> to vector<14xf32>
    %slice3A_109 = vector.extract_strided_slice %squeeze3A_96 {offsets = [168], sizes = [14], strides = [1]} : vector<196xf32> to vector<14xf32>
    %slice3A_110 = vector.extract_strided_slice %squeeze3A_96 {offsets = [182], sizes = [14], strides = [1]} : vector<196xf32> to vector<14xf32>
    %stack3A_111 = vector.shape_cast %slice3A_97 : vector<14xf32> to vector<1x14xf32>
    %stack3A_112 = vector.shape_cast %slice3A_98 : vector<14xf32> to vector<1x14xf32>
    %stack3A_113 = vector.shape_cast %slice3A_99 : vector<14xf32> to vector<1x14xf32>
    %stack3A_114 = vector.shape_cast %slice3A_100 : vector<14xf32> to vector<1x14xf32>
    %stack3A_115 = vector.shape_cast %slice3A_101 : vector<14xf32> to vector<1x14xf32>
    %stack3A_116 = vector.shape_cast %slice3A_102 : vector<14xf32> to vector<1x14xf32>
    %stack3A_117 = vector.shape_cast %slice3A_103 : vector<14xf32> to vector<1x14xf32>
    %stack3A_118 = vector.shape_cast %slice3A_104 : vector<14xf32> to vector<1x14xf32>
    %stack3A_119 = vector.shape_cast %slice3A_105 : vector<14xf32> to vector<1x14xf32>
    %stack3A_120 = vector.shape_cast %slice3A_106 : vector<14xf32> to vector<1x14xf32>
    %stack3A_121 = vector.shape_cast %slice3A_107 : vector<14xf32> to vector<1x14xf32>
    %stack3A_122 = vector.shape_cast %slice3A_108 : vector<14xf32> to vector<1x14xf32>
    %stack3A_123 = vector.shape_cast %slice3A_109 : vector<14xf32> to vector<1x14xf32>
    %stack3A_124 = vector.shape_cast %slice3A_110 : vector<14xf32> to vector<1x14xf32>
    %stack3A_125 = tpu.concatenate %stack3A_111, %stack3A_112, %stack3A_113, %stack3A_114, %stack3A_115, %stack3A_116, %stack3A_117, %stack3A_118, %stack3A_119, %stack3A_120, %stack3A_121, %stack3A_122, %stack3A_123, %stack3A_124 in 0 : vector<1x14xf32>, vector<1x14xf32>, vector<1x14xf32>, vector<1x14xf32>, vector<1x14xf32>, vector<1x14xf32>, vector<1x14xf32>, vector<1x14xf32>, vector<1x14xf32>, vector<1x14xf32>, vector<1x14xf32>, vector<1x14xf32>, vector<1x14xf32>, vector<1x14xf32> -> vector<14x14xf32>
    %dot_general3A_126 = arith.constant dense<0.000000e+00> : vector<224x14xf32>
    %dot_general3A_127 = tpu.matmul %convert_element_type3A_62, %stack3A_125, %dot_general3A_126 {dimension_numbers = #tpu.dot_dimension_numbers<[1], [0], [0], [1], [0, 0, 1, 1], [], []>, transpose_lhs_hint = false} : vector<224x14xf32>, vector<14x14xf32>, vector<224x14xf32> -> vector<224x14xf32>
    %dot_general3A_128 = arith.constant dense<0.000000e+00> : vector<224x224xf32>
    %dot_general3A_129 = tpu.matmul %dot_general3A_127, %convert_element_type3A_62, %dot_general3A_128 {dimension_numbers = #tpu.dot_dimension_numbers<[1], [1], [0], [0], [0, 0, 1, 0], [], []>, transpose_lhs_hint = false} : vector<224x14xf32>, vector<224x14xf32>, vector<224x224xf32> -> vector<224x224xf32>
    %slice3A_130 = vector.extract_strided_slice %dot_general3A_7 {offsets = [0, 392], sizes = [1, 196], strides = [1, 1]} : vector<1x588xf32> to vector<1x196xf32>
    %squeeze3A_131 = vector.shape_cast %slice3A_130 : vector<1x196xf32> to vector<196xf32>
    %slice3A_132 = vector.extract_strided_slice %squeeze3A_131 {offsets = [0], sizes = [14], strides = [1]} : vector<196xf32> to vector<14xf32>
    %slice3A_133 = vector.extract_strided_slice %squeeze3A_131 {offsets = [14], sizes = [14], strides = [1]} : vector<196xf32> to vector<14xf32>
    %slice3A_134 = vector.extract_strided_slice %squeeze3A_131 {offsets = [28], sizes = [14], strides = [1]} : vector<196xf32> to vector<14xf32>
    %slice3A_135 = vector.extract_strided_slice %squeeze3A_131 {offsets = [42], sizes = [14], strides = [1]} : vector<196xf32> to vector<14xf32>
    %slice3A_136 = vector.extract_strided_slice %squeeze3A_131 {offsets = [56], sizes = [14], strides = [1]} : vector<196xf32> to vector<14xf32>
    %slice3A_137 = vector.extract_strided_slice %squeeze3A_131 {offsets = [70], sizes = [14], strides = [1]} : vector<196xf32> to vector<14xf32>
    %slice3A_138 = vector.extract_strided_slice %squeeze3A_131 {offsets = [84], sizes = [14], strides = [1]} : vector<196xf32> to vector<14xf32>
    %slice3A_139 = vector.extract_strided_slice %squeeze3A_131 {offsets = [98], sizes = [14], strides = [1]} : vector<196xf32> to vector<14xf32>
    %slice3A_140 = vector.extract_strided_slice %squeeze3A_131 {offsets = [112], sizes = [14], strides = [1]} : vector<196xf32> to vector<14xf32>
    %slice3A_141 = vector.extract_strided_slice %squeeze3A_131 {offsets = [126], sizes = [14], strides = [1]} : vector<196xf32> to vector<14xf32>
    %slice3A_142 = vector.extract_strided_slice %squeeze3A_131 {offsets = [140], sizes = [14], strides = [1]} : vector<196xf32> to vector<14xf32>
    %slice3A_143 = vector.extract_strided_slice %squeeze3A_131 {offsets = [154], sizes = [14], strides = [1]} : vector<196xf32> to vector<14xf32>
    %slice3A_144 = vector.extract_strided_slice %squeeze3A_131 {offsets = [168], sizes = [14], strides = [1]} : vector<196xf32> to vector<14xf32>
    %slice3A_145 = vector.extract_strided_slice %squeeze3A_131 {offsets = [182], sizes = [14], strides = [1]} : vector<196xf32> to vector<14xf32>
    %stack3A_146 = vector.shape_cast %slice3A_132 : vector<14xf32> to vector<1x14xf32>
    %stack3A_147 = vector.shape_cast %slice3A_133 : vector<14xf32> to vector<1x14xf32>
    %stack3A_148 = vector.shape_cast %slice3A_134 : vector<14xf32> to vector<1x14xf32>
    %stack3A_149 = vector.shape_cast %slice3A_135 : vector<14xf32> to vector<1x14xf32>
    %stack3A_150 = vector.shape_cast %slice3A_136 : vector<14xf32> to vector<1x14xf32>
    %stack3A_151 = vector.shape_cast %slice3A_137 : vector<14xf32> to vector<1x14xf32>
    %stack3A_152 = vector.shape_cast %slice3A_138 : vector<14xf32> to vector<1x14xf32>
    %stack3A_153 = vector.shape_cast %slice3A_139 : vector<14xf32> to vector<1x14xf32>
    %stack3A_154 = vector.shape_cast %slice3A_140 : vector<14xf32> to vector<1x14xf32>
    %stack3A_155 = vector.shape_cast %slice3A_141 : vector<14xf32> to vector<1x14xf32>
    %stack3A_156 = vector.shape_cast %slice3A_142 : vector<14xf32> to vector<1x14xf32>
    %stack3A_157 = vector.shape_cast %slice3A_143 : vector<14xf32> to vector<1x14xf32>
    %stack3A_158 = vector.shape_cast %slice3A_144 : vector<14xf32> to vector<1x14xf32>
    %stack3A_159 = vector.shape_cast %slice3A_145 : vector<14xf32> to vector<1x14xf32>
    %stack3A_160 = tpu.concatenate %stack3A_146, %stack3A_147, %stack3A_148, %stack3A_149, %stack3A_150, %stack3A_151, %stack3A_152, %stack3A_153, %stack3A_154, %stack3A_155, %stack3A_156, %stack3A_157, %stack3A_158, %stack3A_159 in 0 : vector<1x14xf32>, vector<1x14xf32>, vector<1x14xf32>, vector<1x14xf32>, vector<1x14xf32>, vector<1x14xf32>, vector<1x14xf32>, vector<1x14xf32>, vector<1x14xf32>, vector<1x14xf32>, vector<1x14xf32>, vector<1x14xf32>, vector<1x14xf32>, vector<1x14xf32> -> vector<14x14xf32>
    %dot_general3A_161 = arith.constant dense<0.000000e+00> : vector<224x14xf32>
    %dot_general3A_162 = tpu.matmul %convert_element_type3A_62, %stack3A_160, %dot_general3A_161 {dimension_numbers = #tpu.dot_dimension_numbers<[1], [0], [0], [1], [0, 0, 1, 1], [], []>, transpose_lhs_hint = false} : vector<224x14xf32>, vector<14x14xf32>, vector<224x14xf32> -> vector<224x14xf32>
    %dot_general3A_163 = arith.constant dense<0.000000e+00> : vector<224x224xf32>
    %dot_general3A_164 = tpu.matmul %dot_general3A_162, %convert_element_type3A_62, %dot_general3A_163 {dimension_numbers = #tpu.dot_dimension_numbers<[1], [1], [0], [0], [0, 0, 1, 0], [], []>, transpose_lhs_hint = false} : vector<224x14xf32>, vector<224x14xf32>, vector<224x224xf32> -> vector<224x224xf32>
    %get3A_165 = arith.constant 0 : index
    %get3A_166 = arith.constant 0 : index
    %get3A_167 = arith.constant 0 : index
    %get3A_168 = arith.constant 0 : index
    %get3A_169 = vector.load %arg5[%get3A_165, %get3A_166, %get3A_167, %get3A_168] : memref<4x3x224x224xf32, #tpu.memory_space<vmem>>, vector<4x3x224x224xf32>
    %slice3A_170 = vector.extract_strided_slice %get3A_169 {offsets = [0, 0, 0, 0], sizes = [4, 1, 224, 224], strides = [1, 1, 1, 1]} : vector<4x3x224x224xf32> to vector<4x1x224x224xf32>
    %squeeze3A_171 = vector.shape_cast %slice3A_170 : vector<4x1x224x224xf32> to vector<4x224x224xf32>
    %broadcast_in_dim3A = vector.shape_cast %dot_general3A_94 : vector<224x224xf32> to vector<1x224x224xf32>
    %mul3A = vector.broadcast %broadcast_in_dim3A : vector<1x224x224xf32> to vector<4x224x224xf32>
    %mul3A_172 = arith.mulf %squeeze3A_171, %mul3A : vector<4x224x224xf32>
    %slice3A_173 = vector.extract_strided_slice %get3A_169 {offsets = [0, 1, 0, 0], sizes = [4, 1, 224, 224], strides = [1, 1, 1, 1]} : vector<4x3x224x224xf32> to vector<4x1x224x224xf32>
    %squeeze3A_174 = vector.shape_cast %slice3A_173 : vector<4x1x224x224xf32> to vector<4x224x224xf32>
    %broadcast_in_dim3A_175 = vector.shape_cast %dot_general3A_129 : vector<224x224xf32> to vector<1x224x224xf32>
    %mul3A_176 = vector.broadcast %broadcast_in_dim3A_175 : vector<1x224x224xf32> to vector<4x224x224xf32>
    %mul3A_177 = arith.mulf %squeeze3A_174, %mul3A_176 : vector<4x224x224xf32>
    %add3A_178 = arith.addf %mul3A_172, %mul3A_177 : vector<4x224x224xf32>
    %slice3A_179 = vector.extract_strided_slice %get3A_169 {offsets = [0, 2, 0, 0], sizes = [4, 1, 224, 224], strides = [1, 1, 1, 1]} : vector<4x3x224x224xf32> to vector<4x1x224x224xf32>
    %squeeze3A_180 = vector.shape_cast %slice3A_179 : vector<4x1x224x224xf32> to vector<4x224x224xf32>
    %broadcast_in_dim3A_181 = vector.shape_cast %dot_general3A_164 : vector<224x224xf32> to vector<1x224x224xf32>
    %mul3A_182 = vector.broadcast %broadcast_in_dim3A_181 : vector<1x224x224xf32> to vector<4x224x224xf32>
    %mul3A_183 = arith.mulf %squeeze3A_180, %mul3A_182 : vector<4x224x224xf32>
    %add3A_184 = arith.addf %add3A_178, %mul3A_183 : vector<4x224x224xf32>
    %dot_general3A_185 = arith.constant dense<0.000000e+00> : vector<4x224x16xf32>
    %dot_general3A_186 = tpu.matmul %add3A_184, %convert_element_type3A_37, %dot_general3A_185 {dimension_numbers = #tpu.dot_dimension_numbers<[1], [0], [0, 2], [1], [0, 0, 0, 2, 1, 1], [], []>, transpose_lhs_hint = false} : vector<4x224x224xf32>, vector<224x16xf32>, vector<4x224x16xf32> -> vector<4x224x16xf32>
    %dot_general3A_187 = arith.constant dense<0.000000e+00> : vector<4x16x16xf32>
    %dot_general3A_188 = tpu.matmul %dot_general3A_186, %convert_element_type3A_37, %dot_general3A_187 {dimension_numbers = #tpu.dot_dimension_numbers<[1], [0], [0, 2], [1], [0, 0, 0, 2, 1, 1], [], []>, transpose_lhs_hint = false} : vector<4x224x16xf32>, vector<224x16xf32>, vector<4x16x16xf32> -> vector<4x16x16xf32>
    %slice3A_189 = vector.extract_strided_slice %dot_general3A_188 {offsets = [0, 0, 0], sizes = [4, 1, 16], strides = [1, 1, 1]} : vector<4x16x16xf32> to vector<4x1x16xf32>
    %squeeze3A_190 = vector.shape_cast %slice3A_189 : vector<4x1x16xf32> to vector<4x16xf32>
    %slice3A_191 = vector.extract_strided_slice %dot_general3A_188 {offsets = [0, 1, 0], sizes = [4, 1, 16], strides = [1, 1, 1]} : vector<4x16x16xf32> to vector<4x1x16xf32>
    %squeeze3A_192 = vector.shape_cast %slice3A_191 : vector<4x1x16xf32> to vector<4x16xf32>
    %slice3A_193 = vector.extract_strided_slice %dot_general3A_188 {offsets = [0, 2, 0], sizes = [4, 1, 16], strides = [1, 1, 1]} : vector<4x16x16xf32> to vector<4x1x16xf32>
    %squeeze3A_194 = vector.shape_cast %slice3A_193 : vector<4x1x16xf32> to vector<4x16xf32>
    %slice3A_195 = vector.extract_strided_slice %dot_general3A_188 {offsets = [0, 3, 0], sizes = [4, 1, 16], strides = [1, 1, 1]} : vector<4x16x16xf32> to vector<4x1x16xf32>
    %squeeze3A_196 = vector.shape_cast %slice3A_195 : vector<4x1x16xf32> to vector<4x16xf32>
    %slice3A_197 = vector.extract_strided_slice %dot_general3A_188 {offsets = [0, 4, 0], sizes = [4, 1, 16], strides = [1, 1, 1]} : vector<4x16x16xf32> to vector<4x1x16xf32>
    %squeeze3A_198 = vector.shape_cast %slice3A_197 : vector<4x1x16xf32> to vector<4x16xf32>
    %slice3A_199 = vector.extract_strided_slice %dot_general3A_188 {offsets = [0, 5, 0], sizes = [4, 1, 16], strides = [1, 1, 1]} : vector<4x16x16xf32> to vector<4x1x16xf32>
    %squeeze3A_200 = vector.shape_cast %slice3A_199 : vector<4x1x16xf32> to vector<4x16xf32>
    %slice3A_201 = vector.extract_strided_slice %dot_general3A_188 {offsets = [0, 6, 0], sizes = [4, 1, 16], strides = [1, 1, 1]} : vector<4x16x16xf32> to vector<4x1x16xf32>
    %squeeze3A_202 = vector.shape_cast %slice3A_201 : vector<4x1x16xf32> to vector<4x16xf32>
    %slice3A_203 = vector.extract_strided_slice %dot_general3A_188 {offsets = [0, 7, 0], sizes = [4, 1, 16], strides = [1, 1, 1]} : vector<4x16x16xf32> to vector<4x1x16xf32>
    %squeeze3A_204 = vector.shape_cast %slice3A_203 : vector<4x1x16xf32> to vector<4x16xf32>
    %slice3A_205 = vector.extract_strided_slice %dot_general3A_188 {offsets = [0, 8, 0], sizes = [4, 1, 16], strides = [1, 1, 1]} : vector<4x16x16xf32> to vector<4x1x16xf32>
    %squeeze3A_206 = vector.shape_cast %slice3A_205 : vector<4x1x16xf32> to vector<4x16xf32>
    %slice3A_207 = vector.extract_strided_slice %dot_general3A_188 {offsets = [0, 9, 0], sizes = [4, 1, 16], strides = [1, 1, 1]} : vector<4x16x16xf32> to vector<4x1x16xf32>
    %squeeze3A_208 = vector.shape_cast %slice3A_207 : vector<4x1x16xf32> to vector<4x16xf32>
    %slice3A_209 = vector.extract_strided_slice %dot_general3A_188 {offsets = [0, 10, 0], sizes = [4, 1, 16], strides = [1, 1, 1]} : vector<4x16x16xf32> to vector<4x1x16xf32>
    %squeeze3A_210 = vector.shape_cast %slice3A_209 : vector<4x1x16xf32> to vector<4x16xf32>
    %slice3A_211 = vector.extract_strided_slice %dot_general3A_188 {offsets = [0, 11, 0], sizes = [4, 1, 16], strides = [1, 1, 1]} : vector<4x16x16xf32> to vector<4x1x16xf32>
    %squeeze3A_212 = vector.shape_cast %slice3A_211 : vector<4x1x16xf32> to vector<4x16xf32>
    %slice3A_213 = vector.extract_strided_slice %dot_general3A_188 {offsets = [0, 12, 0], sizes = [4, 1, 16], strides = [1, 1, 1]} : vector<4x16x16xf32> to vector<4x1x16xf32>
    %squeeze3A_214 = vector.shape_cast %slice3A_213 : vector<4x1x16xf32> to vector<4x16xf32>
    %slice3A_215 = vector.extract_strided_slice %dot_general3A_188 {offsets = [0, 13, 0], sizes = [4, 1, 16], strides = [1, 1, 1]} : vector<4x16x16xf32> to vector<4x1x16xf32>
    %squeeze3A_216 = vector.shape_cast %slice3A_215 : vector<4x1x16xf32> to vector<4x16xf32>
    %slice3A_217 = vector.extract_strided_slice %dot_general3A_188 {offsets = [0, 14, 0], sizes = [4, 1, 16], strides = [1, 1, 1]} : vector<4x16x16xf32> to vector<4x1x16xf32>
    %squeeze3A_218 = vector.shape_cast %slice3A_217 : vector<4x1x16xf32> to vector<4x16xf32>
    %slice3A_219 = vector.extract_strided_slice %dot_general3A_188 {offsets = [0, 15, 0], sizes = [4, 1, 16], strides = [1, 1, 1]} : vector<4x16x16xf32> to vector<4x1x16xf32>
    %squeeze3A_220 = vector.shape_cast %slice3A_219 : vector<4x1x16xf32> to vector<4x16xf32>
    %concatenate3A = tpu.concatenate %squeeze3A_190, %squeeze3A_192, %squeeze3A_194, %squeeze3A_196, %squeeze3A_198, %squeeze3A_200, %squeeze3A_202, %squeeze3A_204, %squeeze3A_206, %squeeze3A_208, %squeeze3A_210, %squeeze3A_212, %squeeze3A_214, %squeeze3A_216, %squeeze3A_218, %squeeze3A_220 in 1 : vector<4x16xf32>, vector<4x16xf32>, vector<4x16xf32>, vector<4x16xf32>, vector<4x16xf32>, vector<4x16xf32>, vector<4x16xf32>, vector<4x16xf32>, vector<4x16xf32>, vector<4x16xf32>, vector<4x16xf32>, vector<4x16xf32>, vector<4x16xf32>, vector<4x16xf32>, vector<4x16xf32>, vector<4x16xf32> -> vector<4x256xf32>
    %get3A_221 = arith.constant 0 : index
    %get3A_222 = arith.constant 0 : index
    %get3A_223 = arith.constant 0 : index
    %get3A_224 = arith.constant 0 : index
    %get3A_225 = vector.load %arg6[%get3A_221, %get3A_222, %get3A_223, %get3A_224] : memref<4x3x224x224xf32, #tpu.memory_space<vmem>>, vector<4x3x224x224xf32>
    %slice3A_226 = vector.extract_strided_slice %get3A_225 {offsets = [0, 0, 0, 0], sizes = [4, 1, 224, 224], strides = [1, 1, 1, 1]} : vector<4x3x224x224xf32> to vector<4x1x224x224xf32>
    %squeeze3A_227 = vector.shape_cast %slice3A_226 : vector<4x1x224x224xf32> to vector<4x224x224xf32>
    %broadcast_in_dim3A_228 = vector.shape_cast %dot_general3A_94 : vector<224x224xf32> to vector<1x224x224xf32>
    %mul3A_229 = vector.broadcast %broadcast_in_dim3A_228 : vector<1x224x224xf32> to vector<4x224x224xf32>
    %mul3A_230 = arith.mulf %squeeze3A_227, %mul3A_229 : vector<4x224x224xf32>
    %slice3A_231 = vector.extract_strided_slice %get3A_225 {offsets = [0, 1, 0, 0], sizes = [4, 1, 224, 224], strides = [1, 1, 1, 1]} : vector<4x3x224x224xf32> to vector<4x1x224x224xf32>
    %squeeze3A_232 = vector.shape_cast %slice3A_231 : vector<4x1x224x224xf32> to vector<4x224x224xf32>
    %broadcast_in_dim3A_233 = vector.shape_cast %dot_general3A_129 : vector<224x224xf32> to vector<1x224x224xf32>
    %mul3A_234 = vector.broadcast %broadcast_in_dim3A_233 : vector<1x224x224xf32> to vector<4x224x224xf32>
    %mul3A_235 = arith.mulf %squeeze3A_232, %mul3A_234 : vector<4x224x224xf32>
    %add3A_236 = arith.addf %mul3A_230, %mul3A_235 : vector<4x224x224xf32>
    %slice3A_237 = vector.extract_strided_slice %get3A_225 {offsets = [0, 2, 0, 0], sizes = [4, 1, 224, 224], strides = [1, 1, 1, 1]} : vector<4x3x224x224xf32> to vector<4x1x224x224xf32>
    %squeeze3A_238 = vector.shape_cast %slice3A_237 : vector<4x1x224x224xf32> to vector<4x224x224xf32>
    %broadcast_in_dim3A_239 = vector.shape_cast %dot_general3A_164 : vector<224x224xf32> to vector<1x224x224xf32>
    %mul3A_240 = vector.broadcast %broadcast_in_dim3A_239 : vector<1x224x224xf32> to vector<4x224x224xf32>
    %mul3A_241 = arith.mulf %squeeze3A_238, %mul3A_240 : vector<4x224x224xf32>
    %add3A_242 = arith.addf %add3A_236, %mul3A_241 : vector<4x224x224xf32>
    %dot_general3A_243 = arith.constant dense<0.000000e+00> : vector<4x224x16xf32>
    %dot_general3A_244 = tpu.matmul %add3A_242, %convert_element_type3A_37, %dot_general3A_243 {dimension_numbers = #tpu.dot_dimension_numbers<[1], [0], [0, 2], [1], [0, 0, 0, 2, 1, 1], [], []>, transpose_lhs_hint = false} : vector<4x224x224xf32>, vector<224x16xf32>, vector<4x224x16xf32> -> vector<4x224x16xf32>
    %dot_general3A_245 = arith.constant dense<0.000000e+00> : vector<4x16x16xf32>
    %dot_general3A_246 = tpu.matmul %dot_general3A_244, %convert_element_type3A_37, %dot_general3A_245 {dimension_numbers = #tpu.dot_dimension_numbers<[1], [0], [0, 2], [1], [0, 0, 0, 2, 1, 1], [], []>, transpose_lhs_hint = false} : vector<4x224x16xf32>, vector<224x16xf32>, vector<4x16x16xf32> -> vector<4x16x16xf32>
    %slice3A_247 = vector.extract_strided_slice %dot_general3A_246 {offsets = [0, 0, 0], sizes = [4, 1, 16], strides = [1, 1, 1]} : vector<4x16x16xf32> to vector<4x1x16xf32>
    %squeeze3A_248 = vector.shape_cast %slice3A_247 : vector<4x1x16xf32> to vector<4x16xf32>
    %slice3A_249 = vector.extract_strided_slice %dot_general3A_246 {offsets = [0, 1, 0], sizes = [4, 1, 16], strides = [1, 1, 1]} : vector<4x16x16xf32> to vector<4x1x16xf32>
    %squeeze3A_250 = vector.shape_cast %slice3A_249 : vector<4x1x16xf32> to vector<4x16xf32>
    %slice3A_251 = vector.extract_strided_slice %dot_general3A_246 {offsets = [0, 2, 0], sizes = [4, 1, 16], strides = [1, 1, 1]} : vector<4x16x16xf32> to vector<4x1x16xf32>
    %squeeze3A_252 = vector.shape_cast %slice3A_251 : vector<4x1x16xf32> to vector<4x16xf32>
    %slice3A_253 = vector.extract_strided_slice %dot_general3A_246 {offsets = [0, 3, 0], sizes = [4, 1, 16], strides = [1, 1, 1]} : vector<4x16x16xf32> to vector<4x1x16xf32>
    %squeeze3A_254 = vector.shape_cast %slice3A_253 : vector<4x1x16xf32> to vector<4x16xf32>
    %slice3A_255 = vector.extract_strided_slice %dot_general3A_246 {offsets = [0, 4, 0], sizes = [4, 1, 16], strides = [1, 1, 1]} : vector<4x16x16xf32> to vector<4x1x16xf32>
    %squeeze3A_256 = vector.shape_cast %slice3A_255 : vector<4x1x16xf32> to vector<4x16xf32>
    %slice3A_257 = vector.extract_strided_slice %dot_general3A_246 {offsets = [0, 5, 0], sizes = [4, 1, 16], strides = [1, 1, 1]} : vector<4x16x16xf32> to vector<4x1x16xf32>
    %squeeze3A_258 = vector.shape_cast %slice3A_257 : vector<4x1x16xf32> to vector<4x16xf32>
    %slice3A_259 = vector.extract_strided_slice %dot_general3A_246 {offsets = [0, 6, 0], sizes = [4, 1, 16], strides = [1, 1, 1]} : vector<4x16x16xf32> to vector<4x1x16xf32>
    %squeeze3A_260 = vector.shape_cast %slice3A_259 : vector<4x1x16xf32> to vector<4x16xf32>
    %slice3A_261 = vector.extract_strided_slice %dot_general3A_246 {offsets = [0, 7, 0], sizes = [4, 1, 16], strides = [1, 1, 1]} : vector<4x16x16xf32> to vector<4x1x16xf32>
    %squeeze3A_262 = vector.shape_cast %slice3A_261 : vector<4x1x16xf32> to vector<4x16xf32>
    %slice3A_263 = vector.extract_strided_slice %dot_general3A_246 {offsets = [0, 8, 0], sizes = [4, 1, 16], strides = [1, 1, 1]} : vector<4x16x16xf32> to vector<4x1x16xf32>
    %squeeze3A_264 = vector.shape_cast %slice3A_263 : vector<4x1x16xf32> to vector<4x16xf32>
    %slice3A_265 = vector.extract_strided_slice %dot_general3A_246 {offsets = [0, 9, 0], sizes = [4, 1, 16], strides = [1, 1, 1]} : vector<4x16x16xf32> to vector<4x1x16xf32>
    %squeeze3A_266 = vector.shape_cast %slice3A_265 : vector<4x1x16xf32> to vector<4x16xf32>
    %slice3A_267 = vector.extract_strided_slice %dot_general3A_246 {offsets = [0, 10, 0], sizes = [4, 1, 16], strides = [1, 1, 1]} : vector<4x16x16xf32> to vector<4x1x16xf32>
    %squeeze3A_268 = vector.shape_cast %slice3A_267 : vector<4x1x16xf32> to vector<4x16xf32>
    %slice3A_269 = vector.extract_strided_slice %dot_general3A_246 {offsets = [0, 11, 0], sizes = [4, 1, 16], strides = [1, 1, 1]} : vector<4x16x16xf32> to vector<4x1x16xf32>
    %squeeze3A_270 = vector.shape_cast %slice3A_269 : vector<4x1x16xf32> to vector<4x16xf32>
    %slice3A_271 = vector.extract_strided_slice %dot_general3A_246 {offsets = [0, 12, 0], sizes = [4, 1, 16], strides = [1, 1, 1]} : vector<4x16x16xf32> to vector<4x1x16xf32>
    %squeeze3A_272 = vector.shape_cast %slice3A_271 : vector<4x1x16xf32> to vector<4x16xf32>
    %slice3A_273 = vector.extract_strided_slice %dot_general3A_246 {offsets = [0, 13, 0], sizes = [4, 1, 16], strides = [1, 1, 1]} : vector<4x16x16xf32> to vector<4x1x16xf32>
    %squeeze3A_274 = vector.shape_cast %slice3A_273 : vector<4x1x16xf32> to vector<4x16xf32>
    %slice3A_275 = vector.extract_strided_slice %dot_general3A_246 {offsets = [0, 14, 0], sizes = [4, 1, 16], strides = [1, 1, 1]} : vector<4x16x16xf32> to vector<4x1x16xf32>
    %squeeze3A_276 = vector.shape_cast %slice3A_275 : vector<4x1x16xf32> to vector<4x16xf32>
    %slice3A_277 = vector.extract_strided_slice %dot_general3A_246 {offsets = [0, 15, 0], sizes = [4, 1, 16], strides = [1, 1, 1]} : vector<4x16x16xf32> to vector<4x1x16xf32>
    %squeeze3A_278 = vector.shape_cast %slice3A_277 : vector<4x1x16xf32> to vector<4x16xf32>
    %concatenate3A_279 = tpu.concatenate %squeeze3A_248, %squeeze3A_250, %squeeze3A_252, %squeeze3A_254, %squeeze3A_256, %squeeze3A_258, %squeeze3A_260, %squeeze3A_262, %squeeze3A_264, %squeeze3A_266, %squeeze3A_268, %squeeze3A_270, %squeeze3A_272, %squeeze3A_274, %squeeze3A_276, %squeeze3A_278 in 1 : vector<4x16xf32>, vector<4x16xf32>, vector<4x16xf32>, vector<4x16xf32>, vector<4x16xf32>, vector<4x16xf32>, vector<4x16xf32>, vector<4x16xf32>, vector<4x16xf32>, vector<4x16xf32>, vector<4x16xf32>, vector<4x16xf32>, vector<4x16xf32>, vector<4x16xf32>, vector<4x16xf32>, vector<4x16xf32> -> vector<4x256xf32>
    %concatenate3A_280 = tpu.concatenate %concatenate3A, %concatenate3A_279 in 0 : vector<4x256xf32>, vector<4x256xf32> -> vector<8x256xf32>
    %get3A_281 = arith.constant 0 : index
    %get3A_282 = arith.constant 0 : index
    %get3A_283 = arith.constant 0 : index
    %get3A_284 = arith.constant 0 : index
    %get3A_285 = vector.load %arg7[%get3A_281, %get3A_282, %get3A_283, %get3A_284] : memref<4x3x224x224xf32, #tpu.memory_space<vmem>>, vector<4x3x224x224xf32>
    %slice3A_286 = vector.extract_strided_slice %get3A_285 {offsets = [0, 0, 0, 0], sizes = [4, 1, 224, 224], strides = [1, 1, 1, 1]} : vector<4x3x224x224xf32> to vector<4x1x224x224xf32>
    %squeeze3A_287 = vector.shape_cast %slice3A_286 : vector<4x1x224x224xf32> to vector<4x224x224xf32>
    %broadcast_in_dim3A_288 = vector.shape_cast %dot_general3A_94 : vector<224x224xf32> to vector<1x224x224xf32>
    %mul3A_289 = vector.broadcast %broadcast_in_dim3A_288 : vector<1x224x224xf32> to vector<4x224x224xf32>
    %mul3A_290 = arith.mulf %squeeze3A_287, %mul3A_289 : vector<4x224x224xf32>
    %slice3A_291 = vector.extract_strided_slice %get3A_285 {offsets = [0, 1, 0, 0], sizes = [4, 1, 224, 224], strides = [1, 1, 1, 1]} : vector<4x3x224x224xf32> to vector<4x1x224x224xf32>
    %squeeze3A_292 = vector.shape_cast %slice3A_291 : vector<4x1x224x224xf32> to vector<4x224x224xf32>
    %broadcast_in_dim3A_293 = vector.shape_cast %dot_general3A_129 : vector<224x224xf32> to vector<1x224x224xf32>
    %mul3A_294 = vector.broadcast %broadcast_in_dim3A_293 : vector<1x224x224xf32> to vector<4x224x224xf32>
    %mul3A_295 = arith.mulf %squeeze3A_292, %mul3A_294 : vector<4x224x224xf32>
    %add3A_296 = arith.addf %mul3A_290, %mul3A_295 : vector<4x224x224xf32>
    %slice3A_297 = vector.extract_strided_slice %get3A_285 {offsets = [0, 2, 0, 0], sizes = [4, 1, 224, 224], strides = [1, 1, 1, 1]} : vector<4x3x224x224xf32> to vector<4x1x224x224xf32>
    %squeeze3A_298 = vector.shape_cast %slice3A_297 : vector<4x1x224x224xf32> to vector<4x224x224xf32>
    %broadcast_in_dim3A_299 = vector.shape_cast %dot_general3A_164 : vector<224x224xf32> to vector<1x224x224xf32>
    %mul3A_300 = vector.broadcast %broadcast_in_dim3A_299 : vector<1x224x224xf32> to vector<4x224x224xf32>
    %mul3A_301 = arith.mulf %squeeze3A_298, %mul3A_300 : vector<4x224x224xf32>
    %add3A_302 = arith.addf %add3A_296, %mul3A_301 : vector<4x224x224xf32>
    %dot_general3A_303 = arith.constant dense<0.000000e+00> : vector<4x224x16xf32>
    %dot_general3A_304 = tpu.matmul %add3A_302, %convert_element_type3A_37, %dot_general3A_303 {dimension_numbers = #tpu.dot_dimension_numbers<[1], [0], [0, 2], [1], [0, 0, 0, 2, 1, 1], [], []>, transpose_lhs_hint = false} : vector<4x224x224xf32>, vector<224x16xf32>, vector<4x224x16xf32> -> vector<4x224x16xf32>
    %dot_general3A_305 = arith.constant dense<0.000000e+00> : vector<4x16x16xf32>
    %dot_general3A_306 = tpu.matmul %dot_general3A_304, %convert_element_type3A_37, %dot_general3A_305 {dimension_numbers = #tpu.dot_dimension_numbers<[1], [0], [0, 2], [1], [0, 0, 0, 2, 1, 1], [], []>, transpose_lhs_hint = false} : vector<4x224x16xf32>, vector<224x16xf32>, vector<4x16x16xf32> -> vector<4x16x16xf32>
    %slice3A_307 = vector.extract_strided_slice %dot_general3A_306 {offsets = [0, 0, 0], sizes = [4, 1, 16], strides = [1, 1, 1]} : vector<4x16x16xf32> to vector<4x1x16xf32>
    %squeeze3A_308 = vector.shape_cast %slice3A_307 : vector<4x1x16xf32> to vector<4x16xf32>
    %slice3A_309 = vector.extract_strided_slice %dot_general3A_306 {offsets = [0, 1, 0], sizes = [4, 1, 16], strides = [1, 1, 1]} : vector<4x16x16xf32> to vector<4x1x16xf32>
    %squeeze3A_310 = vector.shape_cast %slice3A_309 : vector<4x1x16xf32> to vector<4x16xf32>
    %slice3A_311 = vector.extract_strided_slice %dot_general3A_306 {offsets = [0, 2, 0], sizes = [4, 1, 16], strides = [1, 1, 1]} : vector<4x16x16xf32> to vector<4x1x16xf32>
    %squeeze3A_312 = vector.shape_cast %slice3A_311 : vector<4x1x16xf32> to vector<4x16xf32>
    %slice3A_313 = vector.extract_strided_slice %dot_general3A_306 {offsets = [0, 3, 0], sizes = [4, 1, 16], strides = [1, 1, 1]} : vector<4x16x16xf32> to vector<4x1x16xf32>
    %squeeze3A_314 = vector.shape_cast %slice3A_313 : vector<4x1x16xf32> to vector<4x16xf32>
    %slice3A_315 = vector.extract_strided_slice %dot_general3A_306 {offsets = [0, 4, 0], sizes = [4, 1, 16], strides = [1, 1, 1]} : vector<4x16x16xf32> to vector<4x1x16xf32>
    %squeeze3A_316 = vector.shape_cast %slice3A_315 : vector<4x1x16xf32> to vector<4x16xf32>
    %slice3A_317 = vector.extract_strided_slice %dot_general3A_306 {offsets = [0, 5, 0], sizes = [4, 1, 16], strides = [1, 1, 1]} : vector<4x16x16xf32> to vector<4x1x16xf32>
    %squeeze3A_318 = vector.shape_cast %slice3A_317 : vector<4x1x16xf32> to vector<4x16xf32>
    %slice3A_319 = vector.extract_strided_slice %dot_general3A_306 {offsets = [0, 6, 0], sizes = [4, 1, 16], strides = [1, 1, 1]} : vector<4x16x16xf32> to vector<4x1x16xf32>
    %squeeze3A_320 = vector.shape_cast %slice3A_319 : vector<4x1x16xf32> to vector<4x16xf32>
    %slice3A_321 = vector.extract_strided_slice %dot_general3A_306 {offsets = [0, 7, 0], sizes = [4, 1, 16], strides = [1, 1, 1]} : vector<4x16x16xf32> to vector<4x1x16xf32>
    %squeeze3A_322 = vector.shape_cast %slice3A_321 : vector<4x1x16xf32> to vector<4x16xf32>
    %slice3A_323 = vector.extract_strided_slice %dot_general3A_306 {offsets = [0, 8, 0], sizes = [4, 1, 16], strides = [1, 1, 1]} : vector<4x16x16xf32> to vector<4x1x16xf32>
    %squeeze3A_324 = vector.shape_cast %slice3A_323 : vector<4x1x16xf32> to vector<4x16xf32>
    %slice3A_325 = vector.extract_strided_slice %dot_general3A_306 {offsets = [0, 9, 0], sizes = [4, 1, 16], strides = [1, 1, 1]} : vector<4x16x16xf32> to vector<4x1x16xf32>
    %squeeze3A_326 = vector.shape_cast %slice3A_325 : vector<4x1x16xf32> to vector<4x16xf32>
    %slice3A_327 = vector.extract_strided_slice %dot_general3A_306 {offsets = [0, 10, 0], sizes = [4, 1, 16], strides = [1, 1, 1]} : vector<4x16x16xf32> to vector<4x1x16xf32>
    %squeeze3A_328 = vector.shape_cast %slice3A_327 : vector<4x1x16xf32> to vector<4x16xf32>
    %slice3A_329 = vector.extract_strided_slice %dot_general3A_306 {offsets = [0, 11, 0], sizes = [4, 1, 16], strides = [1, 1, 1]} : vector<4x16x16xf32> to vector<4x1x16xf32>
    %squeeze3A_330 = vector.shape_cast %slice3A_329 : vector<4x1x16xf32> to vector<4x16xf32>
    %slice3A_331 = vector.extract_strided_slice %dot_general3A_306 {offsets = [0, 12, 0], sizes = [4, 1, 16], strides = [1, 1, 1]} : vector<4x16x16xf32> to vector<4x1x16xf32>
    %squeeze3A_332 = vector.shape_cast %slice3A_331 : vector<4x1x16xf32> to vector<4x16xf32>
    %slice3A_333 = vector.extract_strided_slice %dot_general3A_306 {offsets = [0, 13, 0], sizes = [4, 1, 16], strides = [1, 1, 1]} : vector<4x16x16xf32> to vector<4x1x16xf32>
    %squeeze3A_334 = vector.shape_cast %slice3A_333 : vector<4x1x16xf32> to vector<4x16xf32>
    %slice3A_335 = vector.extract_strided_slice %dot_general3A_306 {offsets = [0, 14, 0], sizes = [4, 1, 16], strides = [1, 1, 1]} : vector<4x16x16xf32> to vector<4x1x16xf32>
    %squeeze3A_336 = vector.shape_cast %slice3A_335 : vector<4x1x16xf32> to vector<4x16xf32>
    %slice3A_337 = vector.extract_strided_slice %dot_general3A_306 {offsets = [0, 15, 0], sizes = [4, 1, 16], strides = [1, 1, 1]} : vector<4x16x16xf32> to vector<4x1x16xf32>
    %squeeze3A_338 = vector.shape_cast %slice3A_337 : vector<4x1x16xf32> to vector<4x16xf32>
    %concatenate3A_339 = tpu.concatenate %squeeze3A_308, %squeeze3A_310, %squeeze3A_312, %squeeze3A_314, %squeeze3A_316, %squeeze3A_318, %squeeze3A_320, %squeeze3A_322, %squeeze3A_324, %squeeze3A_326, %squeeze3A_328, %squeeze3A_330, %squeeze3A_332, %squeeze3A_334, %squeeze3A_336, %squeeze3A_338 in 1 : vector<4x16xf32>, vector<4x16xf32>, vector<4x16xf32>, vector<4x16xf32>, vector<4x16xf32>, vector<4x16xf32>, vector<4x16xf32>, vector<4x16xf32>, vector<4x16xf32>, vector<4x16xf32>, vector<4x16xf32>, vector<4x16xf32>, vector<4x16xf32>, vector<4x16xf32>, vector<4x16xf32>, vector<4x16xf32> -> vector<4x256xf32>
    %get3A_340 = arith.constant 0 : index
    %get3A_341 = arith.constant 0 : index
    %get3A_342 = arith.constant 0 : index
    %get3A_343 = arith.constant 0 : index
    %get3A_344 = vector.load %arg8[%get3A_340, %get3A_341, %get3A_342, %get3A_343] : memref<4x3x224x224xf32, #tpu.memory_space<vmem>>, vector<4x3x224x224xf32>
    %slice3A_345 = vector.extract_strided_slice %get3A_344 {offsets = [0, 0, 0, 0], sizes = [4, 1, 224, 224], strides = [1, 1, 1, 1]} : vector<4x3x224x224xf32> to vector<4x1x224x224xf32>
    %squeeze3A_346 = vector.shape_cast %slice3A_345 : vector<4x1x224x224xf32> to vector<4x224x224xf32>
    %broadcast_in_dim3A_347 = vector.shape_cast %dot_general3A_94 : vector<224x224xf32> to vector<1x224x224xf32>
    %mul3A_348 = vector.broadcast %broadcast_in_dim3A_347 : vector<1x224x224xf32> to vector<4x224x224xf32>
    %mul3A_349 = arith.mulf %squeeze3A_346, %mul3A_348 : vector<4x224x224xf32>
    %slice3A_350 = vector.extract_strided_slice %get3A_344 {offsets = [0, 1, 0, 0], sizes = [4, 1, 224, 224], strides = [1, 1, 1, 1]} : vector<4x3x224x224xf32> to vector<4x1x224x224xf32>
    %squeeze3A_351 = vector.shape_cast %slice3A_350 : vector<4x1x224x224xf32> to vector<4x224x224xf32>
    %broadcast_in_dim3A_352 = vector.shape_cast %dot_general3A_129 : vector<224x224xf32> to vector<1x224x224xf32>
    %mul3A_353 = vector.broadcast %broadcast_in_dim3A_352 : vector<1x224x224xf32> to vector<4x224x224xf32>
    %mul3A_354 = arith.mulf %squeeze3A_351, %mul3A_353 : vector<4x224x224xf32>
    %add3A_355 = arith.addf %mul3A_349, %mul3A_354 : vector<4x224x224xf32>
    %slice3A_356 = vector.extract_strided_slice %get3A_344 {offsets = [0, 2, 0, 0], sizes = [4, 1, 224, 224], strides = [1, 1, 1, 1]} : vector<4x3x224x224xf32> to vector<4x1x224x224xf32>
    %squeeze3A_357 = vector.shape_cast %slice3A_356 : vector<4x1x224x224xf32> to vector<4x224x224xf32>
    %broadcast_in_dim3A_358 = vector.shape_cast %dot_general3A_164 : vector<224x224xf32> to vector<1x224x224xf32>
    %mul3A_359 = vector.broadcast %broadcast_in_dim3A_358 : vector<1x224x224xf32> to vector<4x224x224xf32>
    %mul3A_360 = arith.mulf %squeeze3A_357, %mul3A_359 : vector<4x224x224xf32>
    %add3A_361 = arith.addf %add3A_355, %mul3A_360 : vector<4x224x224xf32>
    %dot_general3A_362 = arith.constant dense<0.000000e+00> : vector<4x224x16xf32>
    %dot_general3A_363 = tpu.matmul %add3A_361, %convert_element_type3A_37, %dot_general3A_362 {dimension_numbers = #tpu.dot_dimension_numbers<[1], [0], [0, 2], [1], [0, 0, 0, 2, 1, 1], [], []>, transpose_lhs_hint = false} : vector<4x224x224xf32>, vector<224x16xf32>, vector<4x224x16xf32> -> vector<4x224x16xf32>
    %dot_general3A_364 = arith.constant dense<0.000000e+00> : vector<4x16x16xf32>
    %dot_general3A_365 = tpu.matmul %dot_general3A_363, %convert_element_type3A_37, %dot_general3A_364 {dimension_numbers = #tpu.dot_dimension_numbers<[1], [0], [0, 2], [1], [0, 0, 0, 2, 1, 1], [], []>, transpose_lhs_hint = false} : vector<4x224x16xf32>, vector<224x16xf32>, vector<4x16x16xf32> -> vector<4x16x16xf32>
    %slice3A_366 = vector.extract_strided_slice %dot_general3A_365 {offsets = [0, 0, 0], sizes = [4, 1, 16], strides = [1, 1, 1]} : vector<4x16x16xf32> to vector<4x1x16xf32>
    %squeeze3A_367 = vector.shape_cast %slice3A_366 : vector<4x1x16xf32> to vector<4x16xf32>
    %slice3A_368 = vector.extract_strided_slice %dot_general3A_365 {offsets = [0, 1, 0], sizes = [4, 1, 16], strides = [1, 1, 1]} : vector<4x16x16xf32> to vector<4x1x16xf32>
    %squeeze3A_369 = vector.shape_cast %slice3A_368 : vector<4x1x16xf32> to vector<4x16xf32>
    %slice3A_370 = vector.extract_strided_slice %dot_general3A_365 {offsets = [0, 2, 0], sizes = [4, 1, 16], strides = [1, 1, 1]} : vector<4x16x16xf32> to vector<4x1x16xf32>
    %squeeze3A_371 = vector.shape_cast %slice3A_370 : vector<4x1x16xf32> to vector<4x16xf32>
    %slice3A_372 = vector.extract_strided_slice %dot_general3A_365 {offsets = [0, 3, 0], sizes = [4, 1, 16], strides = [1, 1, 1]} : vector<4x16x16xf32> to vector<4x1x16xf32>
    %squeeze3A_373 = vector.shape_cast %slice3A_372 : vector<4x1x16xf32> to vector<4x16xf32>
    %slice3A_374 = vector.extract_strided_slice %dot_general3A_365 {offsets = [0, 4, 0], sizes = [4, 1, 16], strides = [1, 1, 1]} : vector<4x16x16xf32> to vector<4x1x16xf32>
    %squeeze3A_375 = vector.shape_cast %slice3A_374 : vector<4x1x16xf32> to vector<4x16xf32>
    %slice3A_376 = vector.extract_strided_slice %dot_general3A_365 {offsets = [0, 5, 0], sizes = [4, 1, 16], strides = [1, 1, 1]} : vector<4x16x16xf32> to vector<4x1x16xf32>
    %squeeze3A_377 = vector.shape_cast %slice3A_376 : vector<4x1x16xf32> to vector<4x16xf32>
    %slice3A_378 = vector.extract_strided_slice %dot_general3A_365 {offsets = [0, 6, 0], sizes = [4, 1, 16], strides = [1, 1, 1]} : vector<4x16x16xf32> to vector<4x1x16xf32>
    %squeeze3A_379 = vector.shape_cast %slice3A_378 : vector<4x1x16xf32> to vector<4x16xf32>
    %slice3A_380 = vector.extract_strided_slice %dot_general3A_365 {offsets = [0, 7, 0], sizes = [4, 1, 16], strides = [1, 1, 1]} : vector<4x16x16xf32> to vector<4x1x16xf32>
    %squeeze3A_381 = vector.shape_cast %slice3A_380 : vector<4x1x16xf32> to vector<4x16xf32>
    %slice3A_382 = vector.extract_strided_slice %dot_general3A_365 {offsets = [0, 8, 0], sizes = [4, 1, 16], strides = [1, 1, 1]} : vector<4x16x16xf32> to vector<4x1x16xf32>
    %squeeze3A_383 = vector.shape_cast %slice3A_382 : vector<4x1x16xf32> to vector<4x16xf32>
    %slice3A_384 = vector.extract_strided_slice %dot_general3A_365 {offsets = [0, 9, 0], sizes = [4, 1, 16], strides = [1, 1, 1]} : vector<4x16x16xf32> to vector<4x1x16xf32>
    %squeeze3A_385 = vector.shape_cast %slice3A_384 : vector<4x1x16xf32> to vector<4x16xf32>
    %slice3A_386 = vector.extract_strided_slice %dot_general3A_365 {offsets = [0, 10, 0], sizes = [4, 1, 16], strides = [1, 1, 1]} : vector<4x16x16xf32> to vector<4x1x16xf32>
    %squeeze3A_387 = vector.shape_cast %slice3A_386 : vector<4x1x16xf32> to vector<4x16xf32>
    %slice3A_388 = vector.extract_strided_slice %dot_general3A_365 {offsets = [0, 11, 0], sizes = [4, 1, 16], strides = [1, 1, 1]} : vector<4x16x16xf32> to vector<4x1x16xf32>
    %squeeze3A_389 = vector.shape_cast %slice3A_388 : vector<4x1x16xf32> to vector<4x16xf32>
    %slice3A_390 = vector.extract_strided_slice %dot_general3A_365 {offsets = [0, 12, 0], sizes = [4, 1, 16], strides = [1, 1, 1]} : vector<4x16x16xf32> to vector<4x1x16xf32>
    %squeeze3A_391 = vector.shape_cast %slice3A_390 : vector<4x1x16xf32> to vector<4x16xf32>
    %slice3A_392 = vector.extract_strided_slice %dot_general3A_365 {offsets = [0, 13, 0], sizes = [4, 1, 16], strides = [1, 1, 1]} : vector<4x16x16xf32> to vector<4x1x16xf32>
    %squeeze3A_393 = vector.shape_cast %slice3A_392 : vector<4x1x16xf32> to vector<4x16xf32>
    %slice3A_394 = vector.extract_strided_slice %dot_general3A_365 {offsets = [0, 14, 0], sizes = [4, 1, 16], strides = [1, 1, 1]} : vector<4x16x16xf32> to vector<4x1x16xf32>
    %squeeze3A_395 = vector.shape_cast %slice3A_394 : vector<4x1x16xf32> to vector<4x16xf32>
    %slice3A_396 = vector.extract_strided_slice %dot_general3A_365 {offsets = [0, 15, 0], sizes = [4, 1, 16], strides = [1, 1, 1]} : vector<4x16x16xf32> to vector<4x1x16xf32>
    %squeeze3A_397 = vector.shape_cast %slice3A_396 : vector<4x1x16xf32> to vector<4x16xf32>
    %concatenate3A_398 = tpu.concatenate %squeeze3A_367, %squeeze3A_369, %squeeze3A_371, %squeeze3A_373, %squeeze3A_375, %squeeze3A_377, %squeeze3A_379, %squeeze3A_381, %squeeze3A_383, %squeeze3A_385, %squeeze3A_387, %squeeze3A_389, %squeeze3A_391, %squeeze3A_393, %squeeze3A_395, %squeeze3A_397 in 1 : vector<4x16xf32>, vector<4x16xf32>, vector<4x16xf32>, vector<4x16xf32>, vector<4x16xf32>, vector<4x16xf32>, vector<4x16xf32>, vector<4x16xf32>, vector<4x16xf32>, vector<4x16xf32>, vector<4x16xf32>, vector<4x16xf32>, vector<4x16xf32>, vector<4x16xf32>, vector<4x16xf32>, vector<4x16xf32> -> vector<4x256xf32>
    %concatenate3A_399 = tpu.concatenate %concatenate3A_339, %concatenate3A_398 in 0 : vector<4x256xf32>, vector<4x256xf32> -> vector<8x256xf32>
    %dma_wait3A = arith.constant 0 : i32
    %dma_wait3A_400 = arith.constant 0 : i32
    %dma_wait3A_401 = tpu.memref_slice %arg4[%dma_wait3A, %dma_wait3A_400] : memref<1024x2048xf32, #tpu.memory_space<any>> -> memref<568x2048xf32, #tpu.memory_space<any>>
    tpu.wait_dma2 semaphore(%arg16 : memref<!tpu.dma_semaphore, #tpu.memory_space<semaphore_mem>>) src(%dma_wait3A_401 : memref<568x2048xf32, #tpu.memory_space<any>>) dst(%arg13 : memref<568x2048xf32, #tpu.memory_space<vmem>>)
    %get3A_402 = arith.constant 0 : index
    %get3A_403 = arith.constant 0 : index
    %get3A_404 = vector.load %arg13[%get3A_402, %get3A_403] : memref<568x2048xf32, #tpu.memory_space<vmem>>, vector<561x2048xf32>
    %dot_general3A_405 = arith.constant dense<0.000000e+00> : vector<1x561xf32>
    %dot_general3A_406 = tpu.matmul %get3A_3, %get3A_404, %dot_general3A_405 {dimension_numbers = #tpu.dot_dimension_numbers<[1], [1], [0], [0], [0, 0, 1, 0], [], []>, transpose_lhs_hint = false} : vector<1x2048xf32>, vector<561x2048xf32>, vector<1x561xf32> -> vector<1x561xf32>
    tpu.wait_dma2 semaphore(%arg17 : memref<!tpu.dma_semaphore, #tpu.memory_space<semaphore_mem>>) src(%arg9 : memref<192x2048xf32, #tpu.memory_space<any>>) dst(%arg14 : memref<192x2048xf32, #tpu.memory_space<vmem>>)
    %get3A_407 = arith.constant 0 : index
    %get3A_408 = arith.constant 0 : index
    %get3A_409 = vector.load %arg14[%get3A_407, %get3A_408] : memref<192x2048xf32, #tpu.memory_space<vmem>>, vector<48x2048xf32>
    %dot_general3A_410 = arith.constant dense<0.000000e+00> : vector<1x48xf32>
    %dot_general3A_411 = tpu.matmul %get3A_3, %get3A_409, %dot_general3A_410 {dimension_numbers = #tpu.dot_dimension_numbers<[1], [1], [0], [0], [0, 0, 1, 0], [], []>, transpose_lhs_hint = false} : vector<1x2048xf32>, vector<48x2048xf32>, vector<1x48xf32> -> vector<1x48xf32>
    %get3A_412 = arith.constant 48 : index
    %get3A_413 = arith.constant 0 : index
    %get3A_414 = vector.load %arg14[%get3A_412, %get3A_413] : memref<192x2048xf32, #tpu.memory_space<vmem>>, vector<48x2048xf32>
    %dot_general3A_415 = arith.constant dense<0.000000e+00> : vector<1x48xf32>
    %dot_general3A_416 = tpu.matmul %get3A_3, %get3A_414, %dot_general3A_415 {dimension_numbers = #tpu.dot_dimension_numbers<[1], [1], [0], [0], [0, 0, 1, 0], [], []>, transpose_lhs_hint = false} : vector<1x2048xf32>, vector<48x2048xf32>, vector<1x48xf32> -> vector<1x48xf32>
    %get3A_417 = arith.constant 96 : index
    %get3A_418 = arith.constant 0 : index
    %get3A_419 = vector.load %arg14[%get3A_417, %get3A_418] : memref<192x2048xf32, #tpu.memory_space<vmem>>, vector<48x2048xf32>
    %dot_general3A_420 = arith.constant dense<0.000000e+00> : vector<1x48xf32>
    %dot_general3A_421 = tpu.matmul %get3A_3, %get3A_419, %dot_general3A_420 {dimension_numbers = #tpu.dot_dimension_numbers<[1], [1], [0], [0], [0, 0, 1, 0], [], []>, transpose_lhs_hint = false} : vector<1x2048xf32>, vector<48x2048xf32>, vector<1x48xf32> -> vector<1x48xf32>
    %get3A_422 = arith.constant 144 : index
    %get3A_423 = arith.constant 0 : index
    %get3A_424 = vector.load %arg14[%get3A_422, %get3A_423] : memref<192x2048xf32, #tpu.memory_space<vmem>>, vector<48x2048xf32>
    %dot_general3A_425 = arith.constant dense<0.000000e+00> : vector<1x48xf32>
    %dot_general3A_426 = tpu.matmul %get3A_3, %get3A_424, %dot_general3A_425 {dimension_numbers = #tpu.dot_dimension_numbers<[1], [1], [0], [0], [0, 0, 1, 0], [], []>, transpose_lhs_hint = false} : vector<1x2048xf32>, vector<48x2048xf32>, vector<1x48xf32> -> vector<1x48xf32>
    %concatenate3A_427 = tpu.concatenate %dot_general3A_411, %dot_general3A_416, %dot_general3A_421, %dot_general3A_426, %dot_general3A_411, %dot_general3A_416, %dot_general3A_421, %dot_general3A_426 in 0 : vector<1x48xf32>, vector<1x48xf32>, vector<1x48xf32>, vector<1x48xf32>, vector<1x48xf32>, vector<1x48xf32>, vector<1x48xf32>, vector<1x48xf32> -> vector<8x48xf32>
    %mul3A_428 = arith.constant 45.2548332 : f32
    %mul3A_429 = vector.broadcast %mul3A_428 : f32 to vector<8x256xf32>
    %mul3A_430 = arith.mulf %concatenate3A_280, %mul3A_429 : vector<8x256xf32>
    %slice3A_431 = vector.extract_strided_slice %dot_general3A_406 {offsets = [0, 0], sizes = [1, 256], strides = [1, 1]} : vector<1x561xf32> to vector<1x256xf32>
    %add3A_432 = vector.broadcast %slice3A_431 : vector<1x256xf32> to vector<8x256xf32>
    %add3A_433 = arith.addf %mul3A_430, %add3A_432 : vector<8x256xf32>
    %mul3A_434 = arith.constant 45.2548332 : f32
    %mul3A_435 = vector.broadcast %mul3A_434 : f32 to vector<8x256xf32>
    %mul3A_436 = arith.mulf %concatenate3A_399, %mul3A_435 : vector<8x256xf32>
    %slice3A_437 = vector.extract_strided_slice %dot_general3A_406 {offsets = [0, 256], sizes = [1, 256], strides = [1, 1]} : vector<1x561xf32> to vector<1x256xf32>
    %add3A_438 = vector.broadcast %slice3A_437 : vector<1x256xf32> to vector<8x256xf32>
    %add3A_439 = arith.addf %mul3A_436, %add3A_438 : vector<8x256xf32>
    %mul3A_440 = arith.constant 45.2548332 : f32
    %mul3A_441 = vector.broadcast %mul3A_440 : f32 to vector<8x48xf32>
    %mul3A_442 = arith.mulf %concatenate3A_427, %mul3A_441 : vector<8x48xf32>
    %slice3A_443 = vector.extract_strided_slice %dot_general3A_406 {offsets = [0, 512], sizes = [1, 48], strides = [1, 1]} : vector<1x561xf32> to vector<1x48xf32>
    %add3A_444 = vector.broadcast %slice3A_443 : vector<1x48xf32> to vector<8x48xf32>
    %add3A_445 = arith.addf %mul3A_442, %add3A_444 : vector<8x48xf32>
    %broadcast_in_dim3A_446 = vector.shape_cast %dot_general3A_12 : vector<1x1xf32> to vector<1x1xf32>
    %broadcast_in_dim3A_447 = vector.broadcast %broadcast_in_dim3A_446 : vector<1x1xf32> to vector<8x1xf32>
    %concatenate3A_448 = tpu.concatenate %add3A_433, %add3A_439, %add3A_445, %broadcast_in_dim3A_447 in 1 : vector<8x256xf32>, vector<8x256xf32>, vector<8x48xf32>, vector<8x1xf32> -> vector<8x561xf32>
    %div3A_449 = arith.constant 45.2548332 : f32
    %div3A_450 = vector.broadcast %div3A_449 : f32 to vector<8x561xf32>
    %div3A_451 = arith.divf %concatenate3A_448, %div3A_450 : vector<8x561xf32>
    %reduce_max3A = arith.constant dense<0xFF800000> : vector<8xf32>
    %reduce_max3A_452 = vector.multi_reduction <maximumf>, %div3A_451, %reduce_max3A [1] : vector<8x561xf32> to vector<8xf32>
    %broadcast_in_dim3A_453 = vector.shape_cast %reduce_max3A_452 : vector<8xf32> to vector<8x1xf32>
    %sub3A_454 = vector.broadcast %broadcast_in_dim3A_453 : vector<8x1xf32> to vector<8x561xf32>
    %sub3A_455 = arith.subf %div3A_451, %sub3A_454 : vector<8x561xf32>
    %exp3A = math.exp %sub3A_455 : vector<8x561xf32>
    %reduce_sum3A = arith.constant dense<0.000000e+00> : vector<8xf32>
    %reduce_sum3A_456 = vector.multi_reduction <add>, %exp3A, %reduce_sum3A [1] : vector<8x561xf32> to vector<8xf32>
    %broadcast_in_dim3A_457 = vector.shape_cast %reduce_sum3A_456 : vector<8xf32> to vector<8x1xf32>
    %div3A_458 = vector.broadcast %broadcast_in_dim3A_457 : vector<8x1xf32> to vector<8x561xf32>
    %div3A_459 = arith.divf %exp3A, %div3A_458 : vector<8x561xf32>
    %slice3A_460 = vector.extract_strided_slice %div3A_459 {offsets = [0, 0], sizes = [4, 256], strides = [1, 1]} : vector<8x561xf32> to vector<4x256xf32>
    %get3A_461 = arith.constant 0 : index
    %get3A_462 = arith.constant 0 : index
    %get3A_463 = arith.constant 0 : index
    %get3A_464 = arith.constant 0 : index
    %get3A_465 = vector.load %arg5[%get3A_461, %get3A_462, %get3A_463, %get3A_464] : memref<4x3x224x224xf32, #tpu.memory_space<vmem>>, vector<4x3x224x224xf32>
    %slice3A_466 = vector.extract_strided_slice %slice3A_460 {offsets = [0, 0], sizes = [4, 16], strides = [1, 1]} : vector<4x256xf32> to vector<4x16xf32>
    %slice3A_467 = vector.extract_strided_slice %slice3A_460 {offsets = [0, 16], sizes = [4, 16], strides = [1, 1]} : vector<4x256xf32> to vector<4x16xf32>
    %slice3A_468 = vector.extract_strided_slice %slice3A_460 {offsets = [0, 32], sizes = [4, 16], strides = [1, 1]} : vector<4x256xf32> to vector<4x16xf32>
    %slice3A_469 = vector.extract_strided_slice %slice3A_460 {offsets = [0, 48], sizes = [4, 16], strides = [1, 1]} : vector<4x256xf32> to vector<4x16xf32>
    %slice3A_470 = vector.extract_strided_slice %slice3A_460 {offsets = [0, 64], sizes = [4, 16], strides = [1, 1]} : vector<4x256xf32> to vector<4x16xf32>
    %slice3A_471 = vector.extract_strided_slice %slice3A_460 {offsets = [0, 80], sizes = [4, 16], strides = [1, 1]} : vector<4x256xf32> to vector<4x16xf32>
    %slice3A_472 = vector.extract_strided_slice %slice3A_460 {offsets = [0, 96], sizes = [4, 16], strides = [1, 1]} : vector<4x256xf32> to vector<4x16xf32>
    %slice3A_473 = vector.extract_strided_slice %slice3A_460 {offsets = [0, 112], sizes = [4, 16], strides = [1, 1]} : vector<4x256xf32> to vector<4x16xf32>
    %slice3A_474 = vector.extract_strided_slice %slice3A_460 {offsets = [0, 128], sizes = [4, 16], strides = [1, 1]} : vector<4x256xf32> to vector<4x16xf32>
    %slice3A_475 = vector.extract_strided_slice %slice3A_460 {offsets = [0, 144], sizes = [4, 16], strides = [1, 1]} : vector<4x256xf32> to vector<4x16xf32>
    %slice3A_476 = vector.extract_strided_slice %slice3A_460 {offsets = [0, 160], sizes = [4, 16], strides = [1, 1]} : vector<4x256xf32> to vector<4x16xf32>
    %slice3A_477 = vector.extract_strided_slice %slice3A_460 {offsets = [0, 176], sizes = [4, 16], strides = [1, 1]} : vector<4x256xf32> to vector<4x16xf32>
    %slice3A_478 = vector.extract_strided_slice %slice3A_460 {offsets = [0, 192], sizes = [4, 16], strides = [1, 1]} : vector<4x256xf32> to vector<4x16xf32>
    %slice3A_479 = vector.extract_strided_slice %slice3A_460 {offsets = [0, 208], sizes = [4, 16], strides = [1, 1]} : vector<4x256xf32> to vector<4x16xf32>
    %slice3A_480 = vector.extract_strided_slice %slice3A_460 {offsets = [0, 224], sizes = [4, 16], strides = [1, 1]} : vector<4x256xf32> to vector<4x16xf32>
    %slice3A_481 = vector.extract_strided_slice %slice3A_460 {offsets = [0, 240], sizes = [4, 16], strides = [1, 1]} : vector<4x256xf32> to vector<4x16xf32>
    %stack3A_482 = vector.shape_cast %slice3A_466 : vector<4x16xf32> to vector<4x1x16xf32>
    %stack3A_483 = vector.shape_cast %slice3A_467 : vector<4x16xf32> to vector<4x1x16xf32>
    %stack3A_484 = vector.shape_cast %slice3A_468 : vector<4x16xf32> to vector<4x1x16xf32>
    %stack3A_485 = vector.shape_cast %slice3A_469 : vector<4x16xf32> to vector<4x1x16xf32>
    %stack3A_486 = vector.shape_cast %slice3A_470 : vector<4x16xf32> to vector<4x1x16xf32>
    %stack3A_487 = vector.shape_cast %slice3A_471 : vector<4x16xf32> to vector<4x1x16xf32>
    %stack3A_488 = vector.shape_cast %slice3A_472 : vector<4x16xf32> to vector<4x1x16xf32>
    %stack3A_489 = vector.shape_cast %slice3A_473 : vector<4x16xf32> to vector<4x1x16xf32>
    %stack3A_490 = vector.shape_cast %slice3A_474 : vector<4x16xf32> to vector<4x1x16xf32>
    %stack3A_491 = vector.shape_cast %slice3A_475 : vector<4x16xf32> to vector<4x1x16xf32>
    %stack3A_492 = vector.shape_cast %slice3A_476 : vector<4x16xf32> to vector<4x1x16xf32>
    %stack3A_493 = vector.shape_cast %slice3A_477 : vector<4x16xf32> to vector<4x1x16xf32>
    %stack3A_494 = vector.shape_cast %slice3A_478 : vector<4x16xf32> to vector<4x1x16xf32>
    %stack3A_495 = vector.shape_cast %slice3A_479 : vector<4x16xf32> to vector<4x1x16xf32>
    %stack3A_496 = vector.shape_cast %slice3A_480 : vector<4x16xf32> to vector<4x1x16xf32>
    %stack3A_497 = vector.shape_cast %slice3A_481 : vector<4x16xf32> to vector<4x1x16xf32>
    %stack3A_498 = tpu.concatenate %stack3A_482, %stack3A_483, %stack3A_484, %stack3A_485, %stack3A_486, %stack3A_487, %stack3A_488, %stack3A_489, %stack3A_490, %stack3A_491, %stack3A_492, %stack3A_493, %stack3A_494, %stack3A_495, %stack3A_496, %stack3A_497 in 1 : vector<4x1x16xf32>, vector<4x1x16xf32>, vector<4x1x16xf32>, vector<4x1x16xf32>, vector<4x1x16xf32>, vector<4x1x16xf32>, vector<4x1x16xf32>, vector<4x1x16xf32>, vector<4x1x16xf32>, vector<4x1x16xf32>, vector<4x1x16xf32>, vector<4x1x16xf32>, vector<4x1x16xf32>, vector<4x1x16xf32>, vector<4x1x16xf32>, vector<4x1x16xf32> -> vector<4x16x16xf32>
    %dot_general3A_499 = arith.constant dense<0.000000e+00> : vector<4x16x224xf32>
    %dot_general3A_500 = tpu.matmul %stack3A_498, %convert_element_type3A_37, %dot_general3A_499 {dimension_numbers = #tpu.dot_dimension_numbers<[1], [1], [0, 2], [0], [0, 0, 0, 2, 1, 0], [], []>, transpose_lhs_hint = false} : vector<4x16x16xf32>, vector<224x16xf32>, vector<4x16x224xf32> -> vector<4x16x224xf32>
    %dot_general3A_501 = arith.constant dense<0.000000e+00> : vector<4x224x224xf32>
    %dot_general3A_502 = tpu.matmul %dot_general3A_500, %convert_element_type3A_37, %dot_general3A_501 {dimension_numbers = #tpu.dot_dimension_numbers<[1], [1], [0, 2], [0], [0, 0, 0, 2, 1, 0], [], []>, transpose_lhs_hint = false} : vector<4x16x224xf32>, vector<224x16xf32>, vector<4x224x224xf32> -> vector<4x224x224xf32>
    %slice3A_503 = vector.extract_strided_slice %get3A_465 {offsets = [0, 0, 0, 0], sizes = [4, 1, 224, 224], strides = [1, 1, 1, 1]} : vector<4x3x224x224xf32> to vector<4x1x224x224xf32>
    %squeeze3A_504 = vector.shape_cast %slice3A_503 : vector<4x1x224x224xf32> to vector<4x224x224xf32>
    %mul3A_505 = arith.mulf %squeeze3A_504, %dot_general3A_502 : vector<4x224x224xf32>
    %dot_general3A_506 = arith.constant dense<0.000000e+00> : vector<4x224x14xf32>
    %dot_general3A_507 = tpu.matmul %mul3A_505, %convert_element_type3A_62, %dot_general3A_506 {dimension_numbers = #tpu.dot_dimension_numbers<[1], [0], [0, 2], [1], [0, 0, 0, 2, 1, 1], [], []>, transpose_lhs_hint = false} : vector<4x224x224xf32>, vector<224x14xf32>, vector<4x224x14xf32> -> vector<4x224x14xf32>
    %dot_general3A_508 = arith.constant dense<0.000000e+00> : vector<4x14x14xf32>
    %dot_general3A_509 = tpu.matmul %dot_general3A_507, %convert_element_type3A_62, %dot_general3A_508 {dimension_numbers = #tpu.dot_dimension_numbers<[1], [0], [0, 2], [1], [0, 0, 0, 2, 1, 1], [], []>, transpose_lhs_hint = false} : vector<4x224x14xf32>, vector<224x14xf32>, vector<4x14x14xf32> -> vector<4x14x14xf32>
    %slice3A_510 = vector.extract_strided_slice %dot_general3A_509 {offsets = [0, 0, 0], sizes = [4, 1, 14], strides = [1, 1, 1]} : vector<4x14x14xf32> to vector<4x1x14xf32>
    %squeeze3A_511 = vector.shape_cast %slice3A_510 : vector<4x1x14xf32> to vector<4x14xf32>
    %slice3A_512 = vector.extract_strided_slice %dot_general3A_509 {offsets = [0, 1, 0], sizes = [4, 1, 14], strides = [1, 1, 1]} : vector<4x14x14xf32> to vector<4x1x14xf32>
    %squeeze3A_513 = vector.shape_cast %slice3A_512 : vector<4x1x14xf32> to vector<4x14xf32>
    %slice3A_514 = vector.extract_strided_slice %dot_general3A_509 {offsets = [0, 2, 0], sizes = [4, 1, 14], strides = [1, 1, 1]} : vector<4x14x14xf32> to vector<4x1x14xf32>
    %squeeze3A_515 = vector.shape_cast %slice3A_514 : vector<4x1x14xf32> to vector<4x14xf32>
    %slice3A_516 = vector.extract_strided_slice %dot_general3A_509 {offsets = [0, 3, 0], sizes = [4, 1, 14], strides = [1, 1, 1]} : vector<4x14x14xf32> to vector<4x1x14xf32>
    %squeeze3A_517 = vector.shape_cast %slice3A_516 : vector<4x1x14xf32> to vector<4x14xf32>
    %slice3A_518 = vector.extract_strided_slice %dot_general3A_509 {offsets = [0, 4, 0], sizes = [4, 1, 14], strides = [1, 1, 1]} : vector<4x14x14xf32> to vector<4x1x14xf32>
    %squeeze3A_519 = vector.shape_cast %slice3A_518 : vector<4x1x14xf32> to vector<4x14xf32>
    %slice3A_520 = vector.extract_strided_slice %dot_general3A_509 {offsets = [0, 5, 0], sizes = [4, 1, 14], strides = [1, 1, 1]} : vector<4x14x14xf32> to vector<4x1x14xf32>
    %squeeze3A_521 = vector.shape_cast %slice3A_520 : vector<4x1x14xf32> to vector<4x14xf32>
    %slice3A_522 = vector.extract_strided_slice %dot_general3A_509 {offsets = [0, 6, 0], sizes = [4, 1, 14], strides = [1, 1, 1]} : vector<4x14x14xf32> to vector<4x1x14xf32>
    %squeeze3A_523 = vector.shape_cast %slice3A_522 : vector<4x1x14xf32> to vector<4x14xf32>
    %slice3A_524 = vector.extract_strided_slice %dot_general3A_509 {offsets = [0, 7, 0], sizes = [4, 1, 14], strides = [1, 1, 1]} : vector<4x14x14xf32> to vector<4x1x14xf32>
    %squeeze3A_525 = vector.shape_cast %slice3A_524 : vector<4x1x14xf32> to vector<4x14xf32>
    %slice3A_526 = vector.extract_strided_slice %dot_general3A_509 {offsets = [0, 8, 0], sizes = [4, 1, 14], strides = [1, 1, 1]} : vector<4x14x14xf32> to vector<4x1x14xf32>
    %squeeze3A_527 = vector.shape_cast %slice3A_526 : vector<4x1x14xf32> to vector<4x14xf32>
    %slice3A_528 = vector.extract_strided_slice %dot_general3A_509 {offsets = [0, 9, 0], sizes = [4, 1, 14], strides = [1, 1, 1]} : vector<4x14x14xf32> to vector<4x1x14xf32>
    %squeeze3A_529 = vector.shape_cast %slice3A_528 : vector<4x1x14xf32> to vector<4x14xf32>
    %slice3A_530 = vector.extract_strided_slice %dot_general3A_509 {offsets = [0, 10, 0], sizes = [4, 1, 14], strides = [1, 1, 1]} : vector<4x14x14xf32> to vector<4x1x14xf32>
    %squeeze3A_531 = vector.shape_cast %slice3A_530 : vector<4x1x14xf32> to vector<4x14xf32>
    %slice3A_532 = vector.extract_strided_slice %dot_general3A_509 {offsets = [0, 11, 0], sizes = [4, 1, 14], strides = [1, 1, 1]} : vector<4x14x14xf32> to vector<4x1x14xf32>
    %squeeze3A_533 = vector.shape_cast %slice3A_532 : vector<4x1x14xf32> to vector<4x14xf32>
    %slice3A_534 = vector.extract_strided_slice %dot_general3A_509 {offsets = [0, 12, 0], sizes = [4, 1, 14], strides = [1, 1, 1]} : vector<4x14x14xf32> to vector<4x1x14xf32>
    %squeeze3A_535 = vector.shape_cast %slice3A_534 : vector<4x1x14xf32> to vector<4x14xf32>
    %slice3A_536 = vector.extract_strided_slice %dot_general3A_509 {offsets = [0, 13, 0], sizes = [4, 1, 14], strides = [1, 1, 1]} : vector<4x14x14xf32> to vector<4x1x14xf32>
    %squeeze3A_537 = vector.shape_cast %slice3A_536 : vector<4x1x14xf32> to vector<4x14xf32>
    %concatenate3A_538 = tpu.concatenate %squeeze3A_511, %squeeze3A_513, %squeeze3A_515, %squeeze3A_517, %squeeze3A_519, %squeeze3A_521, %squeeze3A_523, %squeeze3A_525, %squeeze3A_527, %squeeze3A_529, %squeeze3A_531, %squeeze3A_533, %squeeze3A_535, %squeeze3A_537 in 1 : vector<4x14xf32>, vector<4x14xf32>, vector<4x14xf32>, vector<4x14xf32>, vector<4x14xf32>, vector<4x14xf32>, vector<4x14xf32>, vector<4x14xf32>, vector<4x14xf32>, vector<4x14xf32>, vector<4x14xf32>, vector<4x14xf32>, vector<4x14xf32>, vector<4x14xf32> -> vector<4x196xf32>
    %get3A_539 = arith.constant 0 : index
    %get3A_540 = arith.constant 0 : index
    %get3A_541 = vector.load %arg3[%get3A_539, %get3A_540] : memref<588x2048xf32, #tpu.memory_space<vmem>>, vector<196x2048xf32>
    %dot_general3A_542 = arith.constant dense<0.000000e+00> : vector<4x2048xf32>
    %dot_general3A_543 = tpu.matmul %concatenate3A_538, %get3A_541, %dot_general3A_542 {dimension_numbers = #tpu.dot_dimension_numbers<[1], [0], [0], [1], [0, 0, 1, 1], [], []>, transpose_lhs_hint = false} : vector<4x196xf32>, vector<196x2048xf32>, vector<4x2048xf32> -> vector<4x2048xf32>
    %slice3A_544 = vector.extract_strided_slice %get3A_465 {offsets = [0, 1, 0, 0], sizes = [4, 1, 224, 224], strides = [1, 1, 1, 1]} : vector<4x3x224x224xf32> to vector<4x1x224x224xf32>
    %squeeze3A_545 = vector.shape_cast %slice3A_544 : vector<4x1x224x224xf32> to vector<4x224x224xf32>
    %mul3A_546 = arith.mulf %squeeze3A_545, %dot_general3A_502 : vector<4x224x224xf32>
    %dot_general3A_547 = arith.constant dense<0.000000e+00> : vector<4x224x14xf32>
    %dot_general3A_548 = tpu.matmul %mul3A_546, %convert_element_type3A_62, %dot_general3A_547 {dimension_numbers = #tpu.dot_dimension_numbers<[1], [0], [0, 2], [1], [0, 0, 0, 2, 1, 1], [], []>, transpose_lhs_hint = false} : vector<4x224x224xf32>, vector<224x14xf32>, vector<4x224x14xf32> -> vector<4x224x14xf32>
    %dot_general3A_549 = arith.constant dense<0.000000e+00> : vector<4x14x14xf32>
    %dot_general3A_550 = tpu.matmul %dot_general3A_548, %convert_element_type3A_62, %dot_general3A_549 {dimension_numbers = #tpu.dot_dimension_numbers<[1], [0], [0, 2], [1], [0, 0, 0, 2, 1, 1], [], []>, transpose_lhs_hint = false} : vector<4x224x14xf32>, vector<224x14xf32>, vector<4x14x14xf32> -> vector<4x14x14xf32>
    %slice3A_551 = vector.extract_strided_slice %dot_general3A_550 {offsets = [0, 0, 0], sizes = [4, 1, 14], strides = [1, 1, 1]} : vector<4x14x14xf32> to vector<4x1x14xf32>
    %squeeze3A_552 = vector.shape_cast %slice3A_551 : vector<4x1x14xf32> to vector<4x14xf32>
    %slice3A_553 = vector.extract_strided_slice %dot_general3A_550 {offsets = [0, 1, 0], sizes = [4, 1, 14], strides = [1, 1, 1]} : vector<4x14x14xf32> to vector<4x1x14xf32>
    %squeeze3A_554 = vector.shape_cast %slice3A_553 : vector<4x1x14xf32> to vector<4x14xf32>
    %slice3A_555 = vector.extract_strided_slice %dot_general3A_550 {offsets = [0, 2, 0], sizes = [4, 1, 14], strides = [1, 1, 1]} : vector<4x14x14xf32> to vector<4x1x14xf32>
    %squeeze3A_556 = vector.shape_cast %slice3A_555 : vector<4x1x14xf32> to vector<4x14xf32>
    %slice3A_557 = vector.extract_strided_slice %dot_general3A_550 {offsets = [0, 3, 0], sizes = [4, 1, 14], strides = [1, 1, 1]} : vector<4x14x14xf32> to vector<4x1x14xf32>
    %squeeze3A_558 = vector.shape_cast %slice3A_557 : vector<4x1x14xf32> to vector<4x14xf32>
    %slice3A_559 = vector.extract_strided_slice %dot_general3A_550 {offsets = [0, 4, 0], sizes = [4, 1, 14], strides = [1, 1, 1]} : vector<4x14x14xf32> to vector<4x1x14xf32>
    %squeeze3A_560 = vector.shape_cast %slice3A_559 : vector<4x1x14xf32> to vector<4x14xf32>
    %slice3A_561 = vector.extract_strided_slice %dot_general3A_550 {offsets = [0, 5, 0], sizes = [4, 1, 14], strides = [1, 1, 1]} : vector<4x14x14xf32> to vector<4x1x14xf32>
    %squeeze3A_562 = vector.shape_cast %slice3A_561 : vector<4x1x14xf32> to vector<4x14xf32>
    %slice3A_563 = vector.extract_strided_slice %dot_general3A_550 {offsets = [0, 6, 0], sizes = [4, 1, 14], strides = [1, 1, 1]} : vector<4x14x14xf32> to vector<4x1x14xf32>
    %squeeze3A_564 = vector.shape_cast %slice3A_563 : vector<4x1x14xf32> to vector<4x14xf32>
    %slice3A_565 = vector.extract_strided_slice %dot_general3A_550 {offsets = [0, 7, 0], sizes = [4, 1, 14], strides = [1, 1, 1]} : vector<4x14x14xf32> to vector<4x1x14xf32>
    %squeeze3A_566 = vector.shape_cast %slice3A_565 : vector<4x1x14xf32> to vector<4x14xf32>
    %slice3A_567 = vector.extract_strided_slice %dot_general3A_550 {offsets = [0, 8, 0], sizes = [4, 1, 14], strides = [1, 1, 1]} : vector<4x14x14xf32> to vector<4x1x14xf32>
    %squeeze3A_568 = vector.shape_cast %slice3A_567 : vector<4x1x14xf32> to vector<4x14xf32>
    %slice3A_569 = vector.extract_strided_slice %dot_general3A_550 {offsets = [0, 9, 0], sizes = [4, 1, 14], strides = [1, 1, 1]} : vector<4x14x14xf32> to vector<4x1x14xf32>
    %squeeze3A_570 = vector.shape_cast %slice3A_569 : vector<4x1x14xf32> to vector<4x14xf32>
    %slice3A_571 = vector.extract_strided_slice %dot_general3A_550 {offsets = [0, 10, 0], sizes = [4, 1, 14], strides = [1, 1, 1]} : vector<4x14x14xf32> to vector<4x1x14xf32>
    %squeeze3A_572 = vector.shape_cast %slice3A_571 : vector<4x1x14xf32> to vector<4x14xf32>
    %slice3A_573 = vector.extract_strided_slice %dot_general3A_550 {offsets = [0, 11, 0], sizes = [4, 1, 14], strides = [1, 1, 1]} : vector<4x14x14xf32> to vector<4x1x14xf32>
    %squeeze3A_574 = vector.shape_cast %slice3A_573 : vector<4x1x14xf32> to vector<4x14xf32>
    %slice3A_575 = vector.extract_strided_slice %dot_general3A_550 {offsets = [0, 12, 0], sizes = [4, 1, 14], strides = [1, 1, 1]} : vector<4x14x14xf32> to vector<4x1x14xf32>
    %squeeze3A_576 = vector.shape_cast %slice3A_575 : vector<4x1x14xf32> to vector<4x14xf32>
    %slice3A_577 = vector.extract_strided_slice %dot_general3A_550 {offsets = [0, 13, 0], sizes = [4, 1, 14], strides = [1, 1, 1]} : vector<4x14x14xf32> to vector<4x1x14xf32>
    %squeeze3A_578 = vector.shape_cast %slice3A_577 : vector<4x1x14xf32> to vector<4x14xf32>
    %concatenate3A_579 = tpu.concatenate %squeeze3A_552, %squeeze3A_554, %squeeze3A_556, %squeeze3A_558, %squeeze3A_560, %squeeze3A_562, %squeeze3A_564, %squeeze3A_566, %squeeze3A_568, %squeeze3A_570, %squeeze3A_572, %squeeze3A_574, %squeeze3A_576, %squeeze3A_578 in 1 : vector<4x14xf32>, vector<4x14xf32>, vector<4x14xf32>, vector<4x14xf32>, vector<4x14xf32>, vector<4x14xf32>, vector<4x14xf32>, vector<4x14xf32>, vector<4x14xf32>, vector<4x14xf32>, vector<4x14xf32>, vector<4x14xf32>, vector<4x14xf32>, vector<4x14xf32> -> vector<4x196xf32>
    %get3A_580 = arith.constant 196 : index
    %get3A_581 = arith.constant 0 : index
    %get3A_582 = vector.load %arg3[%get3A_580, %get3A_581] : memref<588x2048xf32, #tpu.memory_space<vmem>>, vector<196x2048xf32>
    %dot_general3A_583 = arith.constant dense<0.000000e+00> : vector<4x2048xf32>
    %dot_general3A_584 = tpu.matmul %concatenate3A_579, %get3A_582, %dot_general3A_583 {dimension_numbers = #tpu.dot_dimension_numbers<[1], [0], [0], [1], [0, 0, 1, 1], [], []>, transpose_lhs_hint = false} : vector<4x196xf32>, vector<196x2048xf32>, vector<4x2048xf32> -> vector<4x2048xf32>
    %add3A_585 = arith.addf %dot_general3A_543, %dot_general3A_584 : vector<4x2048xf32>
    %slice3A_586 = vector.extract_strided_slice %get3A_465 {offsets = [0, 2, 0, 0], sizes = [4, 1, 224, 224], strides = [1, 1, 1, 1]} : vector<4x3x224x224xf32> to vector<4x1x224x224xf32>
    %squeeze3A_587 = vector.shape_cast %slice3A_586 : vector<4x1x224x224xf32> to vector<4x224x224xf32>
    %mul3A_588 = arith.mulf %squeeze3A_587, %dot_general3A_502 : vector<4x224x224xf32>
    %dot_general3A_589 = arith.constant dense<0.000000e+00> : vector<4x224x14xf32>
    %dot_general3A_590 = tpu.matmul %mul3A_588, %convert_element_type3A_62, %dot_general3A_589 {dimension_numbers = #tpu.dot_dimension_numbers<[1], [0], [0, 2], [1], [0, 0, 0, 2, 1, 1], [], []>, transpose_lhs_hint = false} : vector<4x224x224xf32>, vector<224x14xf32>, vector<4x224x14xf32> -> vector<4x224x14xf32>
    %dot_general3A_591 = arith.constant dense<0.000000e+00> : vector<4x14x14xf32>
    %dot_general3A_592 = tpu.matmul %dot_general3A_590, %convert_element_type3A_62, %dot_general3A_591 {dimension_numbers = #tpu.dot_dimension_numbers<[1], [0], [0, 2], [1], [0, 0, 0, 2, 1, 1], [], []>, transpose_lhs_hint = false} : vector<4x224x14xf32>, vector<224x14xf32>, vector<4x14x14xf32> -> vector<4x14x14xf32>
    %slice3A_593 = vector.extract_strided_slice %dot_general3A_592 {offsets = [0, 0, 0], sizes = [4, 1, 14], strides = [1, 1, 1]} : vector<4x14x14xf32> to vector<4x1x14xf32>
    %squeeze3A_594 = vector.shape_cast %slice3A_593 : vector<4x1x14xf32> to vector<4x14xf32>
    %slice3A_595 = vector.extract_strided_slice %dot_general3A_592 {offsets = [0, 1, 0], sizes = [4, 1, 14], strides = [1, 1, 1]} : vector<4x14x14xf32> to vector<4x1x14xf32>
    %squeeze3A_596 = vector.shape_cast %slice3A_595 : vector<4x1x14xf32> to vector<4x14xf32>
    %slice3A_597 = vector.extract_strided_slice %dot_general3A_592 {offsets = [0, 2, 0], sizes = [4, 1, 14], strides = [1, 1, 1]} : vector<4x14x14xf32> to vector<4x1x14xf32>
    %squeeze3A_598 = vector.shape_cast %slice3A_597 : vector<4x1x14xf32> to vector<4x14xf32>
    %slice3A_599 = vector.extract_strided_slice %dot_general3A_592 {offsets = [0, 3, 0], sizes = [4, 1, 14], strides = [1, 1, 1]} : vector<4x14x14xf32> to vector<4x1x14xf32>
    %squeeze3A_600 = vector.shape_cast %slice3A_599 : vector<4x1x14xf32> to vector<4x14xf32>
    %slice3A_601 = vector.extract_strided_slice %dot_general3A_592 {offsets = [0, 4, 0], sizes = [4, 1, 14], strides = [1, 1, 1]} : vector<4x14x14xf32> to vector<4x1x14xf32>
    %squeeze3A_602 = vector.shape_cast %slice3A_601 : vector<4x1x14xf32> to vector<4x14xf32>
    %slice3A_603 = vector.extract_strided_slice %dot_general3A_592 {offsets = [0, 5, 0], sizes = [4, 1, 14], strides = [1, 1, 1]} : vector<4x14x14xf32> to vector<4x1x14xf32>
    %squeeze3A_604 = vector.shape_cast %slice3A_603 : vector<4x1x14xf32> to vector<4x14xf32>
    %slice3A_605 = vector.extract_strided_slice %dot_general3A_592 {offsets = [0, 6, 0], sizes = [4, 1, 14], strides = [1, 1, 1]} : vector<4x14x14xf32> to vector<4x1x14xf32>
    %squeeze3A_606 = vector.shape_cast %slice3A_605 : vector<4x1x14xf32> to vector<4x14xf32>
    %slice3A_607 = vector.extract_strided_slice %dot_general3A_592 {offsets = [0, 7, 0], sizes = [4, 1, 14], strides = [1, 1, 1]} : vector<4x14x14xf32> to vector<4x1x14xf32>
    %squeeze3A_608 = vector.shape_cast %slice3A_607 : vector<4x1x14xf32> to vector<4x14xf32>
    %slice3A_609 = vector.extract_strided_slice %dot_general3A_592 {offsets = [0, 8, 0], sizes = [4, 1, 14], strides = [1, 1, 1]} : vector<4x14x14xf32> to vector<4x1x14xf32>
    %squeeze3A_610 = vector.shape_cast %slice3A_609 : vector<4x1x14xf32> to vector<4x14xf32>
    %slice3A_611 = vector.extract_strided_slice %dot_general3A_592 {offsets = [0, 9, 0], sizes = [4, 1, 14], strides = [1, 1, 1]} : vector<4x14x14xf32> to vector<4x1x14xf32>
    %squeeze3A_612 = vector.shape_cast %slice3A_611 : vector<4x1x14xf32> to vector<4x14xf32>
    %slice3A_613 = vector.extract_strided_slice %dot_general3A_592 {offsets = [0, 10, 0], sizes = [4, 1, 14], strides = [1, 1, 1]} : vector<4x14x14xf32> to vector<4x1x14xf32>
    %squeeze3A_614 = vector.shape_cast %slice3A_613 : vector<4x1x14xf32> to vector<4x14xf32>
    %slice3A_615 = vector.extract_strided_slice %dot_general3A_592 {offsets = [0, 11, 0], sizes = [4, 1, 14], strides = [1, 1, 1]} : vector<4x14x14xf32> to vector<4x1x14xf32>
    %squeeze3A_616 = vector.shape_cast %slice3A_615 : vector<4x1x14xf32> to vector<4x14xf32>
    %slice3A_617 = vector.extract_strided_slice %dot_general3A_592 {offsets = [0, 12, 0], sizes = [4, 1, 14], strides = [1, 1, 1]} : vector<4x14x14xf32> to vector<4x1x14xf32>
    %squeeze3A_618 = vector.shape_cast %slice3A_617 : vector<4x1x14xf32> to vector<4x14xf32>
    %slice3A_619 = vector.extract_strided_slice %dot_general3A_592 {offsets = [0, 13, 0], sizes = [4, 1, 14], strides = [1, 1, 1]} : vector<4x14x14xf32> to vector<4x1x14xf32>
    %squeeze3A_620 = vector.shape_cast %slice3A_619 : vector<4x1x14xf32> to vector<4x14xf32>
    %concatenate3A_621 = tpu.concatenate %squeeze3A_594, %squeeze3A_596, %squeeze3A_598, %squeeze3A_600, %squeeze3A_602, %squeeze3A_604, %squeeze3A_606, %squeeze3A_608, %squeeze3A_610, %squeeze3A_612, %squeeze3A_614, %squeeze3A_616, %squeeze3A_618, %squeeze3A_620 in 1 : vector<4x14xf32>, vector<4x14xf32>, vector<4x14xf32>, vector<4x14xf32>, vector<4x14xf32>, vector<4x14xf32>, vector<4x14xf32>, vector<4x14xf32>, vector<4x14xf32>, vector<4x14xf32>, vector<4x14xf32>, vector<4x14xf32>, vector<4x14xf32>, vector<4x14xf32> -> vector<4x196xf32>
    %get3A_622 = arith.constant 392 : index
    %get3A_623 = arith.constant 0 : index
    %get3A_624 = vector.load %arg3[%get3A_622, %get3A_623] : memref<588x2048xf32, #tpu.memory_space<vmem>>, vector<196x2048xf32>
    %dot_general3A_625 = arith.constant dense<0.000000e+00> : vector<4x2048xf32>
    %dot_general3A_626 = tpu.matmul %concatenate3A_621, %get3A_624, %dot_general3A_625 {dimension_numbers = #tpu.dot_dimension_numbers<[1], [0], [0], [1], [0, 0, 1, 1], [], []>, transpose_lhs_hint = false} : vector<4x196xf32>, vector<196x2048xf32>, vector<4x2048xf32> -> vector<4x2048xf32>
    %add3A_627 = arith.addf %add3A_585, %dot_general3A_626 : vector<4x2048xf32>
    %slice3A_628 = vector.extract_strided_slice %div3A_459 {offsets = [0, 256], sizes = [4, 256], strides = [1, 1]} : vector<8x561xf32> to vector<4x256xf32>
    %get3A_629 = arith.constant 0 : index
    %get3A_630 = arith.constant 0 : index
    %get3A_631 = arith.constant 0 : index
    %get3A_632 = arith.constant 0 : index
    %get3A_633 = vector.load %arg7[%get3A_629, %get3A_630, %get3A_631, %get3A_632] : memref<4x3x224x224xf32, #tpu.memory_space<vmem>>, vector<4x3x224x224xf32>
    %slice3A_634 = vector.extract_strided_slice %slice3A_628 {offsets = [0, 0], sizes = [4, 16], strides = [1, 1]} : vector<4x256xf32> to vector<4x16xf32>
    %slice3A_635 = vector.extract_strided_slice %slice3A_628 {offsets = [0, 16], sizes = [4, 16], strides = [1, 1]} : vector<4x256xf32> to vector<4x16xf32>
    %slice3A_636 = vector.extract_strided_slice %slice3A_628 {offsets = [0, 32], sizes = [4, 16], strides = [1, 1]} : vector<4x256xf32> to vector<4x16xf32>
    %slice3A_637 = vector.extract_strided_slice %slice3A_628 {offsets = [0, 48], sizes = [4, 16], strides = [1, 1]} : vector<4x256xf32> to vector<4x16xf32>
    %slice3A_638 = vector.extract_strided_slice %slice3A_628 {offsets = [0, 64], sizes = [4, 16], strides = [1, 1]} : vector<4x256xf32> to vector<4x16xf32>
    %slice3A_639 = vector.extract_strided_slice %slice3A_628 {offsets = [0, 80], sizes = [4, 16], strides = [1, 1]} : vector<4x256xf32> to vector<4x16xf32>
    %slice3A_640 = vector.extract_strided_slice %slice3A_628 {offsets = [0, 96], sizes = [4, 16], strides = [1, 1]} : vector<4x256xf32> to vector<4x16xf32>
    %slice3A_641 = vector.extract_strided_slice %slice3A_628 {offsets = [0, 112], sizes = [4, 16], strides = [1, 1]} : vector<4x256xf32> to vector<4x16xf32>
    %slice3A_642 = vector.extract_strided_slice %slice3A_628 {offsets = [0, 128], sizes = [4, 16], strides = [1, 1]} : vector<4x256xf32> to vector<4x16xf32>
    %slice3A_643 = vector.extract_strided_slice %slice3A_628 {offsets = [0, 144], sizes = [4, 16], strides = [1, 1]} : vector<4x256xf32> to vector<4x16xf32>
    %slice3A_644 = vector.extract_strided_slice %slice3A_628 {offsets = [0, 160], sizes = [4, 16], strides = [1, 1]} : vector<4x256xf32> to vector<4x16xf32>
    %slice3A_645 = vector.extract_strided_slice %slice3A_628 {offsets = [0, 176], sizes = [4, 16], strides = [1, 1]} : vector<4x256xf32> to vector<4x16xf32>
    %slice3A_646 = vector.extract_strided_slice %slice3A_628 {offsets = [0, 192], sizes = [4, 16], strides = [1, 1]} : vector<4x256xf32> to vector<4x16xf32>
    %slice3A_647 = vector.extract_strided_slice %slice3A_628 {offsets = [0, 208], sizes = [4, 16], strides = [1, 1]} : vector<4x256xf32> to vector<4x16xf32>
    %slice3A_648 = vector.extract_strided_slice %slice3A_628 {offsets = [0, 224], sizes = [4, 16], strides = [1, 1]} : vector<4x256xf32> to vector<4x16xf32>
    %slice3A_649 = vector.extract_strided_slice %slice3A_628 {offsets = [0, 240], sizes = [4, 16], strides = [1, 1]} : vector<4x256xf32> to vector<4x16xf32>
    %stack3A_650 = vector.shape_cast %slice3A_634 : vector<4x16xf32> to vector<4x1x16xf32>
    %stack3A_651 = vector.shape_cast %slice3A_635 : vector<4x16xf32> to vector<4x1x16xf32>
    %stack3A_652 = vector.shape_cast %slice3A_636 : vector<4x16xf32> to vector<4x1x16xf32>
    %stack3A_653 = vector.shape_cast %slice3A_637 : vector<4x16xf32> to vector<4x1x16xf32>
    %stack3A_654 = vector.shape_cast %slice3A_638 : vector<4x16xf32> to vector<4x1x16xf32>
    %stack3A_655 = vector.shape_cast %slice3A_639 : vector<4x16xf32> to vector<4x1x16xf32>
    %stack3A_656 = vector.shape_cast %slice3A_640 : vector<4x16xf32> to vector<4x1x16xf32>
    %stack3A_657 = vector.shape_cast %slice3A_641 : vector<4x16xf32> to vector<4x1x16xf32>
    %stack3A_658 = vector.shape_cast %slice3A_642 : vector<4x16xf32> to vector<4x1x16xf32>
    %stack3A_659 = vector.shape_cast %slice3A_643 : vector<4x16xf32> to vector<4x1x16xf32>
    %stack3A_660 = vector.shape_cast %slice3A_644 : vector<4x16xf32> to vector<4x1x16xf32>
    %stack3A_661 = vector.shape_cast %slice3A_645 : vector<4x16xf32> to vector<4x1x16xf32>
    %stack3A_662 = vector.shape_cast %slice3A_646 : vector<4x16xf32> to vector<4x1x16xf32>
    %stack3A_663 = vector.shape_cast %slice3A_647 : vector<4x16xf32> to vector<4x1x16xf32>
    %stack3A_664 = vector.shape_cast %slice3A_648 : vector<4x16xf32> to vector<4x1x16xf32>
    %stack3A_665 = vector.shape_cast %slice3A_649 : vector<4x16xf32> to vector<4x1x16xf32>
    %stack3A_666 = tpu.concatenate %stack3A_650, %stack3A_651, %stack3A_652, %stack3A_653, %stack3A_654, %stack3A_655, %stack3A_656, %stack3A_657, %stack3A_658, %stack3A_659, %stack3A_660, %stack3A_661, %stack3A_662, %stack3A_663, %stack3A_664, %stack3A_665 in 1 : vector<4x1x16xf32>, vector<4x1x16xf32>, vector<4x1x16xf32>, vector<4x1x16xf32>, vector<4x1x16xf32>, vector<4x1x16xf32>, vector<4x1x16xf32>, vector<4x1x16xf32>, vector<4x1x16xf32>, vector<4x1x16xf32>, vector<4x1x16xf32>, vector<4x1x16xf32>, vector<4x1x16xf32>, vector<4x1x16xf32>, vector<4x1x16xf32>, vector<4x1x16xf32> -> vector<4x16x16xf32>
    %dot_general3A_667 = arith.constant dense<0.000000e+00> : vector<4x16x224xf32>
    %dot_general3A_668 = tpu.matmul %stack3A_666, %convert_element_type3A_37, %dot_general3A_667 {dimension_numbers = #tpu.dot_dimension_numbers<[1], [1], [0, 2], [0], [0, 0, 0, 2, 1, 0], [], []>, transpose_lhs_hint = false} : vector<4x16x16xf32>, vector<224x16xf32>, vector<4x16x224xf32> -> vector<4x16x224xf32>
    %dot_general3A_669 = arith.constant dense<0.000000e+00> : vector<4x224x224xf32>
    %dot_general3A_670 = tpu.matmul %dot_general3A_668, %convert_element_type3A_37, %dot_general3A_669 {dimension_numbers = #tpu.dot_dimension_numbers<[1], [1], [0, 2], [0], [0, 0, 0, 2, 1, 0], [], []>, transpose_lhs_hint = false} : vector<4x16x224xf32>, vector<224x16xf32>, vector<4x224x224xf32> -> vector<4x224x224xf32>
    %slice3A_671 = vector.extract_strided_slice %get3A_633 {offsets = [0, 0, 0, 0], sizes = [4, 1, 224, 224], strides = [1, 1, 1, 1]} : vector<4x3x224x224xf32> to vector<4x1x224x224xf32>
    %squeeze3A_672 = vector.shape_cast %slice3A_671 : vector<4x1x224x224xf32> to vector<4x224x224xf32>
    %mul3A_673 = arith.mulf %squeeze3A_672, %dot_general3A_670 : vector<4x224x224xf32>
    %dot_general3A_674 = arith.constant dense<0.000000e+00> : vector<4x224x14xf32>
    %dot_general3A_675 = tpu.matmul %mul3A_673, %convert_element_type3A_62, %dot_general3A_674 {dimension_numbers = #tpu.dot_dimension_numbers<[1], [0], [0, 2], [1], [0, 0, 0, 2, 1, 1], [], []>, transpose_lhs_hint = false} : vector<4x224x224xf32>, vector<224x14xf32>, vector<4x224x14xf32> -> vector<4x224x14xf32>
    %dot_general3A_676 = arith.constant dense<0.000000e+00> : vector<4x14x14xf32>
    %dot_general3A_677 = tpu.matmul %dot_general3A_675, %convert_element_type3A_62, %dot_general3A_676 {dimension_numbers = #tpu.dot_dimension_numbers<[1], [0], [0, 2], [1], [0, 0, 0, 2, 1, 1], [], []>, transpose_lhs_hint = false} : vector<4x224x14xf32>, vector<224x14xf32>, vector<4x14x14xf32> -> vector<4x14x14xf32>
    %slice3A_678 = vector.extract_strided_slice %dot_general3A_677 {offsets = [0, 0, 0], sizes = [4, 1, 14], strides = [1, 1, 1]} : vector<4x14x14xf32> to vector<4x1x14xf32>
    %squeeze3A_679 = vector.shape_cast %slice3A_678 : vector<4x1x14xf32> to vector<4x14xf32>
    %slice3A_680 = vector.extract_strided_slice %dot_general3A_677 {offsets = [0, 1, 0], sizes = [4, 1, 14], strides = [1, 1, 1]} : vector<4x14x14xf32> to vector<4x1x14xf32>
    %squeeze3A_681 = vector.shape_cast %slice3A_680 : vector<4x1x14xf32> to vector<4x14xf32>
    %slice3A_682 = vector.extract_strided_slice %dot_general3A_677 {offsets = [0, 2, 0], sizes = [4, 1, 14], strides = [1, 1, 1]} : vector<4x14x14xf32> to vector<4x1x14xf32>
    %squeeze3A_683 = vector.shape_cast %slice3A_682 : vector<4x1x14xf32> to vector<4x14xf32>
    %slice3A_684 = vector.extract_strided_slice %dot_general3A_677 {offsets = [0, 3, 0], sizes = [4, 1, 14], strides = [1, 1, 1]} : vector<4x14x14xf32> to vector<4x1x14xf32>
    %squeeze3A_685 = vector.shape_cast %slice3A_684 : vector<4x1x14xf32> to vector<4x14xf32>
    %slice3A_686 = vector.extract_strided_slice %dot_general3A_677 {offsets = [0, 4, 0], sizes = [4, 1, 14], strides = [1, 1, 1]} : vector<4x14x14xf32> to vector<4x1x14xf32>
    %squeeze3A_687 = vector.shape_cast %slice3A_686 : vector<4x1x14xf32> to vector<4x14xf32>
    %slice3A_688 = vector.extract_strided_slice %dot_general3A_677 {offsets = [0, 5, 0], sizes = [4, 1, 14], strides = [1, 1, 1]} : vector<4x14x14xf32> to vector<4x1x14xf32>
    %squeeze3A_689 = vector.shape_cast %slice3A_688 : vector<4x1x14xf32> to vector<4x14xf32>
    %slice3A_690 = vector.extract_strided_slice %dot_general3A_677 {offsets = [0, 6, 0], sizes = [4, 1, 14], strides = [1, 1, 1]} : vector<4x14x14xf32> to vector<4x1x14xf32>
    %squeeze3A_691 = vector.shape_cast %slice3A_690 : vector<4x1x14xf32> to vector<4x14xf32>
    %slice3A_692 = vector.extract_strided_slice %dot_general3A_677 {offsets = [0, 7, 0], sizes = [4, 1, 14], strides = [1, 1, 1]} : vector<4x14x14xf32> to vector<4x1x14xf32>
    %squeeze3A_693 = vector.shape_cast %slice3A_692 : vector<4x1x14xf32> to vector<4x14xf32>
    %slice3A_694 = vector.extract_strided_slice %dot_general3A_677 {offsets = [0, 8, 0], sizes = [4, 1, 14], strides = [1, 1, 1]} : vector<4x14x14xf32> to vector<4x1x14xf32>
    %squeeze3A_695 = vector.shape_cast %slice3A_694 : vector<4x1x14xf32> to vector<4x14xf32>
    %slice3A_696 = vector.extract_strided_slice %dot_general3A_677 {offsets = [0, 9, 0], sizes = [4, 1, 14], strides = [1, 1, 1]} : vector<4x14x14xf32> to vector<4x1x14xf32>
    %squeeze3A_697 = vector.shape_cast %slice3A_696 : vector<4x1x14xf32> to vector<4x14xf32>
    %slice3A_698 = vector.extract_strided_slice %dot_general3A_677 {offsets = [0, 10, 0], sizes = [4, 1, 14], strides = [1, 1, 1]} : vector<4x14x14xf32> to vector<4x1x14xf32>
    %squeeze3A_699 = vector.shape_cast %slice3A_698 : vector<4x1x14xf32> to vector<4x14xf32>
    %slice3A_700 = vector.extract_strided_slice %dot_general3A_677 {offsets = [0, 11, 0], sizes = [4, 1, 14], strides = [1, 1, 1]} : vector<4x14x14xf32> to vector<4x1x14xf32>
    %squeeze3A_701 = vector.shape_cast %slice3A_700 : vector<4x1x14xf32> to vector<4x14xf32>
    %slice3A_702 = vector.extract_strided_slice %dot_general3A_677 {offsets = [0, 12, 0], sizes = [4, 1, 14], strides = [1, 1, 1]} : vector<4x14x14xf32> to vector<4x1x14xf32>
    %squeeze3A_703 = vector.shape_cast %slice3A_702 : vector<4x1x14xf32> to vector<4x14xf32>
    %slice3A_704 = vector.extract_strided_slice %dot_general3A_677 {offsets = [0, 13, 0], sizes = [4, 1, 14], strides = [1, 1, 1]} : vector<4x14x14xf32> to vector<4x1x14xf32>
    %squeeze3A_705 = vector.shape_cast %slice3A_704 : vector<4x1x14xf32> to vector<4x14xf32>
    %concatenate3A_706 = tpu.concatenate %squeeze3A_679, %squeeze3A_681, %squeeze3A_683, %squeeze3A_685, %squeeze3A_687, %squeeze3A_689, %squeeze3A_691, %squeeze3A_693, %squeeze3A_695, %squeeze3A_697, %squeeze3A_699, %squeeze3A_701, %squeeze3A_703, %squeeze3A_705 in 1 : vector<4x14xf32>, vector<4x14xf32>, vector<4x14xf32>, vector<4x14xf32>, vector<4x14xf32>, vector<4x14xf32>, vector<4x14xf32>, vector<4x14xf32>, vector<4x14xf32>, vector<4x14xf32>, vector<4x14xf32>, vector<4x14xf32>, vector<4x14xf32>, vector<4x14xf32> -> vector<4x196xf32>
    %get3A_707 = arith.constant 0 : index
    %get3A_708 = arith.constant 0 : index
    %get3A_709 = vector.load %arg3[%get3A_707, %get3A_708] : memref<588x2048xf32, #tpu.memory_space<vmem>>, vector<196x2048xf32>
    %dot_general3A_710 = arith.constant dense<0.000000e+00> : vector<4x2048xf32>
    %dot_general3A_711 = tpu.matmul %concatenate3A_706, %get3A_709, %dot_general3A_710 {dimension_numbers = #tpu.dot_dimension_numbers<[1], [0], [0], [1], [0, 0, 1, 1], [], []>, transpose_lhs_hint = false} : vector<4x196xf32>, vector<196x2048xf32>, vector<4x2048xf32> -> vector<4x2048xf32>
    %slice3A_712 = vector.extract_strided_slice %get3A_633 {offsets = [0, 1, 0, 0], sizes = [4, 1, 224, 224], strides = [1, 1, 1, 1]} : vector<4x3x224x224xf32> to vector<4x1x224x224xf32>
    %squeeze3A_713 = vector.shape_cast %slice3A_712 : vector<4x1x224x224xf32> to vector<4x224x224xf32>
    %mul3A_714 = arith.mulf %squeeze3A_713, %dot_general3A_670 : vector<4x224x224xf32>
    %dot_general3A_715 = arith.constant dense<0.000000e+00> : vector<4x224x14xf32>
    %dot_general3A_716 = tpu.matmul %mul3A_714, %convert_element_type3A_62, %dot_general3A_715 {dimension_numbers = #tpu.dot_dimension_numbers<[1], [0], [0, 2], [1], [0, 0, 0, 2, 1, 1], [], []>, transpose_lhs_hint = false} : vector<4x224x224xf32>, vector<224x14xf32>, vector<4x224x14xf32> -> vector<4x224x14xf32>
    %dot_general3A_717 = arith.constant dense<0.000000e+00> : vector<4x14x14xf32>
    %dot_general3A_718 = tpu.matmul %dot_general3A_716, %convert_element_type3A_62, %dot_general3A_717 {dimension_numbers = #tpu.dot_dimension_numbers<[1], [0], [0, 2], [1], [0, 0, 0, 2, 1, 1], [], []>, transpose_lhs_hint = false} : vector<4x224x14xf32>, vector<224x14xf32>, vector<4x14x14xf32> -> vector<4x14x14xf32>
    %slice3A_719 = vector.extract_strided_slice %dot_general3A_718 {offsets = [0, 0, 0], sizes = [4, 1, 14], strides = [1, 1, 1]} : vector<4x14x14xf32> to vector<4x1x14xf32>
    %squeeze3A_720 = vector.shape_cast %slice3A_719 : vector<4x1x14xf32> to vector<4x14xf32>
    %slice3A_721 = vector.extract_strided_slice %dot_general3A_718 {offsets = [0, 1, 0], sizes = [4, 1, 14], strides = [1, 1, 1]} : vector<4x14x14xf32> to vector<4x1x14xf32>
    %squeeze3A_722 = vector.shape_cast %slice3A_721 : vector<4x1x14xf32> to vector<4x14xf32>
    %slice3A_723 = vector.extract_strided_slice %dot_general3A_718 {offsets = [0, 2, 0], sizes = [4, 1, 14], strides = [1, 1, 1]} : vector<4x14x14xf32> to vector<4x1x14xf32>
    %squeeze3A_724 = vector.shape_cast %slice3A_723 : vector<4x1x14xf32> to vector<4x14xf32>
    %slice3A_725 = vector.extract_strided_slice %dot_general3A_718 {offsets = [0, 3, 0], sizes = [4, 1, 14], strides = [1, 1, 1]} : vector<4x14x14xf32> to vector<4x1x14xf32>
    %squeeze3A_726 = vector.shape_cast %slice3A_725 : vector<4x1x14xf32> to vector<4x14xf32>
    %slice3A_727 = vector.extract_strided_slice %dot_general3A_718 {offsets = [0, 4, 0], sizes = [4, 1, 14], strides = [1, 1, 1]} : vector<4x14x14xf32> to vector<4x1x14xf32>
    %squeeze3A_728 = vector.shape_cast %slice3A_727 : vector<4x1x14xf32> to vector<4x14xf32>
    %slice3A_729 = vector.extract_strided_slice %dot_general3A_718 {offsets = [0, 5, 0], sizes = [4, 1, 14], strides = [1, 1, 1]} : vector<4x14x14xf32> to vector<4x1x14xf32>
    %squeeze3A_730 = vector.shape_cast %slice3A_729 : vector<4x1x14xf32> to vector<4x14xf32>
    %slice3A_731 = vector.extract_strided_slice %dot_general3A_718 {offsets = [0, 6, 0], sizes = [4, 1, 14], strides = [1, 1, 1]} : vector<4x14x14xf32> to vector<4x1x14xf32>
    %squeeze3A_732 = vector.shape_cast %slice3A_731 : vector<4x1x14xf32> to vector<4x14xf32>
    %slice3A_733 = vector.extract_strided_slice %dot_general3A_718 {offsets = [0, 7, 0], sizes = [4, 1, 14], strides = [1, 1, 1]} : vector<4x14x14xf32> to vector<4x1x14xf32>
    %squeeze3A_734 = vector.shape_cast %slice3A_733 : vector<4x1x14xf32> to vector<4x14xf32>
    %slice3A_735 = vector.extract_strided_slice %dot_general3A_718 {offsets = [0, 8, 0], sizes = [4, 1, 14], strides = [1, 1, 1]} : vector<4x14x14xf32> to vector<4x1x14xf32>
    %squeeze3A_736 = vector.shape_cast %slice3A_735 : vector<4x1x14xf32> to vector<4x14xf32>
    %slice3A_737 = vector.extract_strided_slice %dot_general3A_718 {offsets = [0, 9, 0], sizes = [4, 1, 14], strides = [1, 1, 1]} : vector<4x14x14xf32> to vector<4x1x14xf32>
    %squeeze3A_738 = vector.shape_cast %slice3A_737 : vector<4x1x14xf32> to vector<4x14xf32>
    %slice3A_739 = vector.extract_strided_slice %dot_general3A_718 {offsets = [0, 10, 0], sizes = [4, 1, 14], strides = [1, 1, 1]} : vector<4x14x14xf32> to vector<4x1x14xf32>
    %squeeze3A_740 = vector.shape_cast %slice3A_739 : vector<4x1x14xf32> to vector<4x14xf32>
    %slice3A_741 = vector.extract_strided_slice %dot_general3A_718 {offsets = [0, 11, 0], sizes = [4, 1, 14], strides = [1, 1, 1]} : vector<4x14x14xf32> to vector<4x1x14xf32>
    %squeeze3A_742 = vector.shape_cast %slice3A_741 : vector<4x1x14xf32> to vector<4x14xf32>
    %slice3A_743 = vector.extract_strided_slice %dot_general3A_718 {offsets = [0, 12, 0], sizes = [4, 1, 14], strides = [1, 1, 1]} : vector<4x14x14xf32> to vector<4x1x14xf32>
    %squeeze3A_744 = vector.shape_cast %slice3A_743 : vector<4x1x14xf32> to vector<4x14xf32>
    %slice3A_745 = vector.extract_strided_slice %dot_general3A_718 {offsets = [0, 13, 0], sizes = [4, 1, 14], strides = [1, 1, 1]} : vector<4x14x14xf32> to vector<4x1x14xf32>
    %squeeze3A_746 = vector.shape_cast %slice3A_745 : vector<4x1x14xf32> to vector<4x14xf32>
    %concatenate3A_747 = tpu.concatenate %squeeze3A_720, %squeeze3A_722, %squeeze3A_724, %squeeze3A_726, %squeeze3A_728, %squeeze3A_730, %squeeze3A_732, %squeeze3A_734, %squeeze3A_736, %squeeze3A_738, %squeeze3A_740, %squeeze3A_742, %squeeze3A_744, %squeeze3A_746 in 1 : vector<4x14xf32>, vector<4x14xf32>, vector<4x14xf32>, vector<4x14xf32>, vector<4x14xf32>, vector<4x14xf32>, vector<4x14xf32>, vector<4x14xf32>, vector<4x14xf32>, vector<4x14xf32>, vector<4x14xf32>, vector<4x14xf32>, vector<4x14xf32>, vector<4x14xf32> -> vector<4x196xf32>
    %get3A_748 = arith.constant 196 : index
    %get3A_749 = arith.constant 0 : index
    %get3A_750 = vector.load %arg3[%get3A_748, %get3A_749] : memref<588x2048xf32, #tpu.memory_space<vmem>>, vector<196x2048xf32>
    %dot_general3A_751 = arith.constant dense<0.000000e+00> : vector<4x2048xf32>
    %dot_general3A_752 = tpu.matmul %concatenate3A_747, %get3A_750, %dot_general3A_751 {dimension_numbers = #tpu.dot_dimension_numbers<[1], [0], [0], [1], [0, 0, 1, 1], [], []>, transpose_lhs_hint = false} : vector<4x196xf32>, vector<196x2048xf32>, vector<4x2048xf32> -> vector<4x2048xf32>
    %add3A_753 = arith.addf %dot_general3A_711, %dot_general3A_752 : vector<4x2048xf32>
    %slice3A_754 = vector.extract_strided_slice %get3A_633 {offsets = [0, 2, 0, 0], sizes = [4, 1, 224, 224], strides = [1, 1, 1, 1]} : vector<4x3x224x224xf32> to vector<4x1x224x224xf32>
    %squeeze3A_755 = vector.shape_cast %slice3A_754 : vector<4x1x224x224xf32> to vector<4x224x224xf32>
    %mul3A_756 = arith.mulf %squeeze3A_755, %dot_general3A_670 : vector<4x224x224xf32>
    %dot_general3A_757 = arith.constant dense<0.000000e+00> : vector<4x224x14xf32>
    %dot_general3A_758 = tpu.matmul %mul3A_756, %convert_element_type3A_62, %dot_general3A_757 {dimension_numbers = #tpu.dot_dimension_numbers<[1], [0], [0, 2], [1], [0, 0, 0, 2, 1, 1], [], []>, transpose_lhs_hint = false} : vector<4x224x224xf32>, vector<224x14xf32>, vector<4x224x14xf32> -> vector<4x224x14xf32>
    %dot_general3A_759 = arith.constant dense<0.000000e+00> : vector<4x14x14xf32>
    %dot_general3A_760 = tpu.matmul %dot_general3A_758, %convert_element_type3A_62, %dot_general3A_759 {dimension_numbers = #tpu.dot_dimension_numbers<[1], [0], [0, 2], [1], [0, 0, 0, 2, 1, 1], [], []>, transpose_lhs_hint = false} : vector<4x224x14xf32>, vector<224x14xf32>, vector<4x14x14xf32> -> vector<4x14x14xf32>
    %slice3A_761 = vector.extract_strided_slice %dot_general3A_760 {offsets = [0, 0, 0], sizes = [4, 1, 14], strides = [1, 1, 1]} : vector<4x14x14xf32> to vector<4x1x14xf32>
    %squeeze3A_762 = vector.shape_cast %slice3A_761 : vector<4x1x14xf32> to vector<4x14xf32>
    %slice3A_763 = vector.extract_strided_slice %dot_general3A_760 {offsets = [0, 1, 0], sizes = [4, 1, 14], strides = [1, 1, 1]} : vector<4x14x14xf32> to vector<4x1x14xf32>
    %squeeze3A_764 = vector.shape_cast %slice3A_763 : vector<4x1x14xf32> to vector<4x14xf32>
    %slice3A_765 = vector.extract_strided_slice %dot_general3A_760 {offsets = [0, 2, 0], sizes = [4, 1, 14], strides = [1, 1, 1]} : vector<4x14x14xf32> to vector<4x1x14xf32>
    %squeeze3A_766 = vector.shape_cast %slice3A_765 : vector<4x1x14xf32> to vector<4x14xf32>
    %slice3A_767 = vector.extract_strided_slice %dot_general3A_760 {offsets = [0, 3, 0], sizes = [4, 1, 14], strides = [1, 1, 1]} : vector<4x14x14xf32> to vector<4x1x14xf32>
    %squeeze3A_768 = vector.shape_cast %slice3A_767 : vector<4x1x14xf32> to vector<4x14xf32>
    %slice3A_769 = vector.extract_strided_slice %dot_general3A_760 {offsets = [0, 4, 0], sizes = [4, 1, 14], strides = [1, 1, 1]} : vector<4x14x14xf32> to vector<4x1x14xf32>
    %squeeze3A_770 = vector.shape_cast %slice3A_769 : vector<4x1x14xf32> to vector<4x14xf32>
    %slice3A_771 = vector.extract_strided_slice %dot_general3A_760 {offsets = [0, 5, 0], sizes = [4, 1, 14], strides = [1, 1, 1]} : vector<4x14x14xf32> to vector<4x1x14xf32>
    %squeeze3A_772 = vector.shape_cast %slice3A_771 : vector<4x1x14xf32> to vector<4x14xf32>
    %slice3A_773 = vector.extract_strided_slice %dot_general3A_760 {offsets = [0, 6, 0], sizes = [4, 1, 14], strides = [1, 1, 1]} : vector<4x14x14xf32> to vector<4x1x14xf32>
    %squeeze3A_774 = vector.shape_cast %slice3A_773 : vector<4x1x14xf32> to vector<4x14xf32>
    %slice3A_775 = vector.extract_strided_slice %dot_general3A_760 {offsets = [0, 7, 0], sizes = [4, 1, 14], strides = [1, 1, 1]} : vector<4x14x14xf32> to vector<4x1x14xf32>
    %squeeze3A_776 = vector.shape_cast %slice3A_775 : vector<4x1x14xf32> to vector<4x14xf32>
    %slice3A_777 = vector.extract_strided_slice %dot_general3A_760 {offsets = [0, 8, 0], sizes = [4, 1, 14], strides = [1, 1, 1]} : vector<4x14x14xf32> to vector<4x1x14xf32>
    %squeeze3A_778 = vector.shape_cast %slice3A_777 : vector<4x1x14xf32> to vector<4x14xf32>
    %slice3A_779 = vector.extract_strided_slice %dot_general3A_760 {offsets = [0, 9, 0], sizes = [4, 1, 14], strides = [1, 1, 1]} : vector<4x14x14xf32> to vector<4x1x14xf32>
    %squeeze3A_780 = vector.shape_cast %slice3A_779 : vector<4x1x14xf32> to vector<4x14xf32>
    %slice3A_781 = vector.extract_strided_slice %dot_general3A_760 {offsets = [0, 10, 0], sizes = [4, 1, 14], strides = [1, 1, 1]} : vector<4x14x14xf32> to vector<4x1x14xf32>
    %squeeze3A_782 = vector.shape_cast %slice3A_781 : vector<4x1x14xf32> to vector<4x14xf32>
    %slice3A_783 = vector.extract_strided_slice %dot_general3A_760 {offsets = [0, 11, 0], sizes = [4, 1, 14], strides = [1, 1, 1]} : vector<4x14x14xf32> to vector<4x1x14xf32>
    %squeeze3A_784 = vector.shape_cast %slice3A_783 : vector<4x1x14xf32> to vector<4x14xf32>
    %slice3A_785 = vector.extract_strided_slice %dot_general3A_760 {offsets = [0, 12, 0], sizes = [4, 1, 14], strides = [1, 1, 1]} : vector<4x14x14xf32> to vector<4x1x14xf32>
    %squeeze3A_786 = vector.shape_cast %slice3A_785 : vector<4x1x14xf32> to vector<4x14xf32>
    %slice3A_787 = vector.extract_strided_slice %dot_general3A_760 {offsets = [0, 13, 0], sizes = [4, 1, 14], strides = [1, 1, 1]} : vector<4x14x14xf32> to vector<4x1x14xf32>
    %squeeze3A_788 = vector.shape_cast %slice3A_787 : vector<4x1x14xf32> to vector<4x14xf32>
    %concatenate3A_789 = tpu.concatenate %squeeze3A_762, %squeeze3A_764, %squeeze3A_766, %squeeze3A_768, %squeeze3A_770, %squeeze3A_772, %squeeze3A_774, %squeeze3A_776, %squeeze3A_778, %squeeze3A_780, %squeeze3A_782, %squeeze3A_784, %squeeze3A_786, %squeeze3A_788 in 1 : vector<4x14xf32>, vector<4x14xf32>, vector<4x14xf32>, vector<4x14xf32>, vector<4x14xf32>, vector<4x14xf32>, vector<4x14xf32>, vector<4x14xf32>, vector<4x14xf32>, vector<4x14xf32>, vector<4x14xf32>, vector<4x14xf32>, vector<4x14xf32>, vector<4x14xf32> -> vector<4x196xf32>
    %get3A_790 = arith.constant 392 : index
    %get3A_791 = arith.constant 0 : index
    %get3A_792 = vector.load %arg3[%get3A_790, %get3A_791] : memref<588x2048xf32, #tpu.memory_space<vmem>>, vector<196x2048xf32>
    %dot_general3A_793 = arith.constant dense<0.000000e+00> : vector<4x2048xf32>
    %dot_general3A_794 = tpu.matmul %concatenate3A_789, %get3A_792, %dot_general3A_793 {dimension_numbers = #tpu.dot_dimension_numbers<[1], [0], [0], [1], [0, 0, 1, 1], [], []>, transpose_lhs_hint = false} : vector<4x196xf32>, vector<196x2048xf32>, vector<4x2048xf32> -> vector<4x2048xf32>
    %add3A_795 = arith.addf %add3A_753, %dot_general3A_794 : vector<4x2048xf32>
    %add3A_796 = arith.addf %add3A_627, %add3A_795 : vector<4x2048xf32>
    %slice3A_797 = vector.extract_strided_slice %div3A_459 {offsets = [4, 0], sizes = [4, 256], strides = [1, 1]} : vector<8x561xf32> to vector<4x256xf32>
    %get3A_798 = arith.constant 0 : index
    %get3A_799 = arith.constant 0 : index
    %get3A_800 = arith.constant 0 : index
    %get3A_801 = arith.constant 0 : index
    %get3A_802 = vector.load %arg6[%get3A_798, %get3A_799, %get3A_800, %get3A_801] : memref<4x3x224x224xf32, #tpu.memory_space<vmem>>, vector<4x3x224x224xf32>
    %slice3A_803 = vector.extract_strided_slice %slice3A_797 {offsets = [0, 0], sizes = [4, 16], strides = [1, 1]} : vector<4x256xf32> to vector<4x16xf32>
    %slice3A_804 = vector.extract_strided_slice %slice3A_797 {offsets = [0, 16], sizes = [4, 16], strides = [1, 1]} : vector<4x256xf32> to vector<4x16xf32>
    %slice3A_805 = vector.extract_strided_slice %slice3A_797 {offsets = [0, 32], sizes = [4, 16], strides = [1, 1]} : vector<4x256xf32> to vector<4x16xf32>
    %slice3A_806 = vector.extract_strided_slice %slice3A_797 {offsets = [0, 48], sizes = [4, 16], strides = [1, 1]} : vector<4x256xf32> to vector<4x16xf32>
    %slice3A_807 = vector.extract_strided_slice %slice3A_797 {offsets = [0, 64], sizes = [4, 16], strides = [1, 1]} : vector<4x256xf32> to vector<4x16xf32>
    %slice3A_808 = vector.extract_strided_slice %slice3A_797 {offsets = [0, 80], sizes = [4, 16], strides = [1, 1]} : vector<4x256xf32> to vector<4x16xf32>
    %slice3A_809 = vector.extract_strided_slice %slice3A_797 {offsets = [0, 96], sizes = [4, 16], strides = [1, 1]} : vector<4x256xf32> to vector<4x16xf32>
    %slice3A_810 = vector.extract_strided_slice %slice3A_797 {offsets = [0, 112], sizes = [4, 16], strides = [1, 1]} : vector<4x256xf32> to vector<4x16xf32>
    %slice3A_811 = vector.extract_strided_slice %slice3A_797 {offsets = [0, 128], sizes = [4, 16], strides = [1, 1]} : vector<4x256xf32> to vector<4x16xf32>
    %slice3A_812 = vector.extract_strided_slice %slice3A_797 {offsets = [0, 144], sizes = [4, 16], strides = [1, 1]} : vector<4x256xf32> to vector<4x16xf32>
    %slice3A_813 = vector.extract_strided_slice %slice3A_797 {offsets = [0, 160], sizes = [4, 16], strides = [1, 1]} : vector<4x256xf32> to vector<4x16xf32>
    %slice3A_814 = vector.extract_strided_slice %slice3A_797 {offsets = [0, 176], sizes = [4, 16], strides = [1, 1]} : vector<4x256xf32> to vector<4x16xf32>
    %slice3A_815 = vector.extract_strided_slice %slice3A_797 {offsets = [0, 192], sizes = [4, 16], strides = [1, 1]} : vector<4x256xf32> to vector<4x16xf32>
    %slice3A_816 = vector.extract_strided_slice %slice3A_797 {offsets = [0, 208], sizes = [4, 16], strides = [1, 1]} : vector<4x256xf32> to vector<4x16xf32>
    %slice3A_817 = vector.extract_strided_slice %slice3A_797 {offsets = [0, 224], sizes = [4, 16], strides = [1, 1]} : vector<4x256xf32> to vector<4x16xf32>
    %slice3A_818 = vector.extract_strided_slice %slice3A_797 {offsets = [0, 240], sizes = [4, 16], strides = [1, 1]} : vector<4x256xf32> to vector<4x16xf32>
    %stack3A_819 = vector.shape_cast %slice3A_803 : vector<4x16xf32> to vector<4x1x16xf32>
    %stack3A_820 = vector.shape_cast %slice3A_804 : vector<4x16xf32> to vector<4x1x16xf32>
    %stack3A_821 = vector.shape_cast %slice3A_805 : vector<4x16xf32> to vector<4x1x16xf32>
    %stack3A_822 = vector.shape_cast %slice3A_806 : vector<4x16xf32> to vector<4x1x16xf32>
    %stack3A_823 = vector.shape_cast %slice3A_807 : vector<4x16xf32> to vector<4x1x16xf32>
    %stack3A_824 = vector.shape_cast %slice3A_808 : vector<4x16xf32> to vector<4x1x16xf32>
    %stack3A_825 = vector.shape_cast %slice3A_809 : vector<4x16xf32> to vector<4x1x16xf32>
    %stack3A_826 = vector.shape_cast %slice3A_810 : vector<4x16xf32> to vector<4x1x16xf32>
    %stack3A_827 = vector.shape_cast %slice3A_811 : vector<4x16xf32> to vector<4x1x16xf32>
    %stack3A_828 = vector.shape_cast %slice3A_812 : vector<4x16xf32> to vector<4x1x16xf32>
    %stack3A_829 = vector.shape_cast %slice3A_813 : vector<4x16xf32> to vector<4x1x16xf32>
    %stack3A_830 = vector.shape_cast %slice3A_814 : vector<4x16xf32> to vector<4x1x16xf32>
    %stack3A_831 = vector.shape_cast %slice3A_815 : vector<4x16xf32> to vector<4x1x16xf32>
    %stack3A_832 = vector.shape_cast %slice3A_816 : vector<4x16xf32> to vector<4x1x16xf32>
    %stack3A_833 = vector.shape_cast %slice3A_817 : vector<4x16xf32> to vector<4x1x16xf32>
    %stack3A_834 = vector.shape_cast %slice3A_818 : vector<4x16xf32> to vector<4x1x16xf32>
    %stack3A_835 = tpu.concatenate %stack3A_819, %stack3A_820, %stack3A_821, %stack3A_822, %stack3A_823, %stack3A_824, %stack3A_825, %stack3A_826, %stack3A_827, %stack3A_828, %stack3A_829, %stack3A_830, %stack3A_831, %stack3A_832, %stack3A_833, %stack3A_834 in 1 : vector<4x1x16xf32>, vector<4x1x16xf32>, vector<4x1x16xf32>, vector<4x1x16xf32>, vector<4x1x16xf32>, vector<4x1x16xf32>, vector<4x1x16xf32>, vector<4x1x16xf32>, vector<4x1x16xf32>, vector<4x1x16xf32>, vector<4x1x16xf32>, vector<4x1x16xf32>, vector<4x1x16xf32>, vector<4x1x16xf32>, vector<4x1x16xf32>, vector<4x1x16xf32> -> vector<4x16x16xf32>
    %dot_general3A_836 = arith.constant dense<0.000000e+00> : vector<4x16x224xf32>
    %dot_general3A_837 = tpu.matmul %stack3A_835, %convert_element_type3A_37, %dot_general3A_836 {dimension_numbers = #tpu.dot_dimension_numbers<[1], [1], [0, 2], [0], [0, 0, 0, 2, 1, 0], [], []>, transpose_lhs_hint = false} : vector<4x16x16xf32>, vector<224x16xf32>, vector<4x16x224xf32> -> vector<4x16x224xf32>
    %dot_general3A_838 = arith.constant dense<0.000000e+00> : vector<4x224x224xf32>
    %dot_general3A_839 = tpu.matmul %dot_general3A_837, %convert_element_type3A_37, %dot_general3A_838 {dimension_numbers = #tpu.dot_dimension_numbers<[1], [1], [0, 2], [0], [0, 0, 0, 2, 1, 0], [], []>, transpose_lhs_hint = false} : vector<4x16x224xf32>, vector<224x16xf32>, vector<4x224x224xf32> -> vector<4x224x224xf32>
    %slice3A_840 = vector.extract_strided_slice %get3A_802 {offsets = [0, 0, 0, 0], sizes = [4, 1, 224, 224], strides = [1, 1, 1, 1]} : vector<4x3x224x224xf32> to vector<4x1x224x224xf32>
    %squeeze3A_841 = vector.shape_cast %slice3A_840 : vector<4x1x224x224xf32> to vector<4x224x224xf32>
    %mul3A_842 = arith.mulf %squeeze3A_841, %dot_general3A_839 : vector<4x224x224xf32>
    %dot_general3A_843 = arith.constant dense<0.000000e+00> : vector<4x224x14xf32>
    %dot_general3A_844 = tpu.matmul %mul3A_842, %convert_element_type3A_62, %dot_general3A_843 {dimension_numbers = #tpu.dot_dimension_numbers<[1], [0], [0, 2], [1], [0, 0, 0, 2, 1, 1], [], []>, transpose_lhs_hint = false} : vector<4x224x224xf32>, vector<224x14xf32>, vector<4x224x14xf32> -> vector<4x224x14xf32>
    %dot_general3A_845 = arith.constant dense<0.000000e+00> : vector<4x14x14xf32>
    %dot_general3A_846 = tpu.matmul %dot_general3A_844, %convert_element_type3A_62, %dot_general3A_845 {dimension_numbers = #tpu.dot_dimension_numbers<[1], [0], [0, 2], [1], [0, 0, 0, 2, 1, 1], [], []>, transpose_lhs_hint = false} : vector<4x224x14xf32>, vector<224x14xf32>, vector<4x14x14xf32> -> vector<4x14x14xf32>
    %slice3A_847 = vector.extract_strided_slice %dot_general3A_846 {offsets = [0, 0, 0], sizes = [4, 1, 14], strides = [1, 1, 1]} : vector<4x14x14xf32> to vector<4x1x14xf32>
    %squeeze3A_848 = vector.shape_cast %slice3A_847 : vector<4x1x14xf32> to vector<4x14xf32>
    %slice3A_849 = vector.extract_strided_slice %dot_general3A_846 {offsets = [0, 1, 0], sizes = [4, 1, 14], strides = [1, 1, 1]} : vector<4x14x14xf32> to vector<4x1x14xf32>
    %squeeze3A_850 = vector.shape_cast %slice3A_849 : vector<4x1x14xf32> to vector<4x14xf32>
    %slice3A_851 = vector.extract_strided_slice %dot_general3A_846 {offsets = [0, 2, 0], sizes = [4, 1, 14], strides = [1, 1, 1]} : vector<4x14x14xf32> to vector<4x1x14xf32>
    %squeeze3A_852 = vector.shape_cast %slice3A_851 : vector<4x1x14xf32> to vector<4x14xf32>
    %slice3A_853 = vector.extract_strided_slice %dot_general3A_846 {offsets = [0, 3, 0], sizes = [4, 1, 14], strides = [1, 1, 1]} : vector<4x14x14xf32> to vector<4x1x14xf32>
    %squeeze3A_854 = vector.shape_cast %slice3A_853 : vector<4x1x14xf32> to vector<4x14xf32>
    %slice3A_855 = vector.extract_strided_slice %dot_general3A_846 {offsets = [0, 4, 0], sizes = [4, 1, 14], strides = [1, 1, 1]} : vector<4x14x14xf32> to vector<4x1x14xf32>
    %squeeze3A_856 = vector.shape_cast %slice3A_855 : vector<4x1x14xf32> to vector<4x14xf32>
    %slice3A_857 = vector.extract_strided_slice %dot_general3A_846 {offsets = [0, 5, 0], sizes = [4, 1, 14], strides = [1, 1, 1]} : vector<4x14x14xf32> to vector<4x1x14xf32>
    %squeeze3A_858 = vector.shape_cast %slice3A_857 : vector<4x1x14xf32> to vector<4x14xf32>
    %slice3A_859 = vector.extract_strided_slice %dot_general3A_846 {offsets = [0, 6, 0], sizes = [4, 1, 14], strides = [1, 1, 1]} : vector<4x14x14xf32> to vector<4x1x14xf32>
    %squeeze3A_860 = vector.shape_cast %slice3A_859 : vector<4x1x14xf32> to vector<4x14xf32>
    %slice3A_861 = vector.extract_strided_slice %dot_general3A_846 {offsets = [0, 7, 0], sizes = [4, 1, 14], strides = [1, 1, 1]} : vector<4x14x14xf32> to vector<4x1x14xf32>
    %squeeze3A_862 = vector.shape_cast %slice3A_861 : vector<4x1x14xf32> to vector<4x14xf32>
    %slice3A_863 = vector.extract_strided_slice %dot_general3A_846 {offsets = [0, 8, 0], sizes = [4, 1, 14], strides = [1, 1, 1]} : vector<4x14x14xf32> to vector<4x1x14xf32>
    %squeeze3A_864 = vector.shape_cast %slice3A_863 : vector<4x1x14xf32> to vector<4x14xf32>
    %slice3A_865 = vector.extract_strided_slice %dot_general3A_846 {offsets = [0, 9, 0], sizes = [4, 1, 14], strides = [1, 1, 1]} : vector<4x14x14xf32> to vector<4x1x14xf32>
    %squeeze3A_866 = vector.shape_cast %slice3A_865 : vector<4x1x14xf32> to vector<4x14xf32>
    %slice3A_867 = vector.extract_strided_slice %dot_general3A_846 {offsets = [0, 10, 0], sizes = [4, 1, 14], strides = [1, 1, 1]} : vector<4x14x14xf32> to vector<4x1x14xf32>
    %squeeze3A_868 = vector.shape_cast %slice3A_867 : vector<4x1x14xf32> to vector<4x14xf32>
    %slice3A_869 = vector.extract_strided_slice %dot_general3A_846 {offsets = [0, 11, 0], sizes = [4, 1, 14], strides = [1, 1, 1]} : vector<4x14x14xf32> to vector<4x1x14xf32>
    %squeeze3A_870 = vector.shape_cast %slice3A_869 : vector<4x1x14xf32> to vector<4x14xf32>
    %slice3A_871 = vector.extract_strided_slice %dot_general3A_846 {offsets = [0, 12, 0], sizes = [4, 1, 14], strides = [1, 1, 1]} : vector<4x14x14xf32> to vector<4x1x14xf32>
    %squeeze3A_872 = vector.shape_cast %slice3A_871 : vector<4x1x14xf32> to vector<4x14xf32>
    %slice3A_873 = vector.extract_strided_slice %dot_general3A_846 {offsets = [0, 13, 0], sizes = [4, 1, 14], strides = [1, 1, 1]} : vector<4x14x14xf32> to vector<4x1x14xf32>
    %squeeze3A_874 = vector.shape_cast %slice3A_873 : vector<4x1x14xf32> to vector<4x14xf32>
    %concatenate3A_875 = tpu.concatenate %squeeze3A_848, %squeeze3A_850, %squeeze3A_852, %squeeze3A_854, %squeeze3A_856, %squeeze3A_858, %squeeze3A_860, %squeeze3A_862, %squeeze3A_864, %squeeze3A_866, %squeeze3A_868, %squeeze3A_870, %squeeze3A_872, %squeeze3A_874 in 1 : vector<4x14xf32>, vector<4x14xf32>, vector<4x14xf32>, vector<4x14xf32>, vector<4x14xf32>, vector<4x14xf32>, vector<4x14xf32>, vector<4x14xf32>, vector<4x14xf32>, vector<4x14xf32>, vector<4x14xf32>, vector<4x14xf32>, vector<4x14xf32>, vector<4x14xf32> -> vector<4x196xf32>
    %get3A_876 = arith.constant 0 : index
    %get3A_877 = arith.constant 0 : index
    %get3A_878 = vector.load %arg3[%get3A_876, %get3A_877] : memref<588x2048xf32, #tpu.memory_space<vmem>>, vector<196x2048xf32>
    %dot_general3A_879 = arith.constant dense<0.000000e+00> : vector<4x2048xf32>
    %dot_general3A_880 = tpu.matmul %concatenate3A_875, %get3A_878, %dot_general3A_879 {dimension_numbers = #tpu.dot_dimension_numbers<[1], [0], [0], [1], [0, 0, 1, 1], [], []>, transpose_lhs_hint = false} : vector<4x196xf32>, vector<196x2048xf32>, vector<4x2048xf32> -> vector<4x2048xf32>
    %slice3A_881 = vector.extract_strided_slice %get3A_802 {offsets = [0, 1, 0, 0], sizes = [4, 1, 224, 224], strides = [1, 1, 1, 1]} : vector<4x3x224x224xf32> to vector<4x1x224x224xf32>
    %squeeze3A_882 = vector.shape_cast %slice3A_881 : vector<4x1x224x224xf32> to vector<4x224x224xf32>
    %mul3A_883 = arith.mulf %squeeze3A_882, %dot_general3A_839 : vector<4x224x224xf32>
    %dot_general3A_884 = arith.constant dense<0.000000e+00> : vector<4x224x14xf32>
    %dot_general3A_885 = tpu.matmul %mul3A_883, %convert_element_type3A_62, %dot_general3A_884 {dimension_numbers = #tpu.dot_dimension_numbers<[1], [0], [0, 2], [1], [0, 0, 0, 2, 1, 1], [], []>, transpose_lhs_hint = false} : vector<4x224x224xf32>, vector<224x14xf32>, vector<4x224x14xf32> -> vector<4x224x14xf32>
    %dot_general3A_886 = arith.constant dense<0.000000e+00> : vector<4x14x14xf32>
    %dot_general3A_887 = tpu.matmul %dot_general3A_885, %convert_element_type3A_62, %dot_general3A_886 {dimension_numbers = #tpu.dot_dimension_numbers<[1], [0], [0, 2], [1], [0, 0, 0, 2, 1, 1], [], []>, transpose_lhs_hint = false} : vector<4x224x14xf32>, vector<224x14xf32>, vector<4x14x14xf32> -> vector<4x14x14xf32>
    %slice3A_888 = vector.extract_strided_slice %dot_general3A_887 {offsets = [0, 0, 0], sizes = [4, 1, 14], strides = [1, 1, 1]} : vector<4x14x14xf32> to vector<4x1x14xf32>
    %squeeze3A_889 = vector.shape_cast %slice3A_888 : vector<4x1x14xf32> to vector<4x14xf32>
    %slice3A_890 = vector.extract_strided_slice %dot_general3A_887 {offsets = [0, 1, 0], sizes = [4, 1, 14], strides = [1, 1, 1]} : vector<4x14x14xf32> to vector<4x1x14xf32>
    %squeeze3A_891 = vector.shape_cast %slice3A_890 : vector<4x1x14xf32> to vector<4x14xf32>
    %slice3A_892 = vector.extract_strided_slice %dot_general3A_887 {offsets = [0, 2, 0], sizes = [4, 1, 14], strides = [1, 1, 1]} : vector<4x14x14xf32> to vector<4x1x14xf32>
    %squeeze3A_893 = vector.shape_cast %slice3A_892 : vector<4x1x14xf32> to vector<4x14xf32>
    %slice3A_894 = vector.extract_strided_slice %dot_general3A_887 {offsets = [0, 3, 0], sizes = [4, 1, 14], strides = [1, 1, 1]} : vector<4x14x14xf32> to vector<4x1x14xf32>
    %squeeze3A_895 = vector.shape_cast %slice3A_894 : vector<4x1x14xf32> to vector<4x14xf32>
    %slice3A_896 = vector.extract_strided_slice %dot_general3A_887 {offsets = [0, 4, 0], sizes = [4, 1, 14], strides = [1, 1, 1]} : vector<4x14x14xf32> to vector<4x1x14xf32>
    %squeeze3A_897 = vector.shape_cast %slice3A_896 : vector<4x1x14xf32> to vector<4x14xf32>
    %slice3A_898 = vector.extract_strided_slice %dot_general3A_887 {offsets = [0, 5, 0], sizes = [4, 1, 14], strides = [1, 1, 1]} : vector<4x14x14xf32> to vector<4x1x14xf32>
    %squeeze3A_899 = vector.shape_cast %slice3A_898 : vector<4x1x14xf32> to vector<4x14xf32>
    %slice3A_900 = vector.extract_strided_slice %dot_general3A_887 {offsets = [0, 6, 0], sizes = [4, 1, 14], strides = [1, 1, 1]} : vector<4x14x14xf32> to vector<4x1x14xf32>
    %squeeze3A_901 = vector.shape_cast %slice3A_900 : vector<4x1x14xf32> to vector<4x14xf32>
    %slice3A_902 = vector.extract_strided_slice %dot_general3A_887 {offsets = [0, 7, 0], sizes = [4, 1, 14], strides = [1, 1, 1]} : vector<4x14x14xf32> to vector<4x1x14xf32>
    %squeeze3A_903 = vector.shape_cast %slice3A_902 : vector<4x1x14xf32> to vector<4x14xf32>
    %slice3A_904 = vector.extract_strided_slice %dot_general3A_887 {offsets = [0, 8, 0], sizes = [4, 1, 14], strides = [1, 1, 1]} : vector<4x14x14xf32> to vector<4x1x14xf32>
    %squeeze3A_905 = vector.shape_cast %slice3A_904 : vector<4x1x14xf32> to vector<4x14xf32>
    %slice3A_906 = vector.extract_strided_slice %dot_general3A_887 {offsets = [0, 9, 0], sizes = [4, 1, 14], strides = [1, 1, 1]} : vector<4x14x14xf32> to vector<4x1x14xf32>
    %squeeze3A_907 = vector.shape_cast %slice3A_906 : vector<4x1x14xf32> to vector<4x14xf32>
    %slice3A_908 = vector.extract_strided_slice %dot_general3A_887 {offsets = [0, 10, 0], sizes = [4, 1, 14], strides = [1, 1, 1]} : vector<4x14x14xf32> to vector<4x1x14xf32>
    %squeeze3A_909 = vector.shape_cast %slice3A_908 : vector<4x1x14xf32> to vector<4x14xf32>
    %slice3A_910 = vector.extract_strided_slice %dot_general3A_887 {offsets = [0, 11, 0], sizes = [4, 1, 14], strides = [1, 1, 1]} : vector<4x14x14xf32> to vector<4x1x14xf32>
    %squeeze3A_911 = vector.shape_cast %slice3A_910 : vector<4x1x14xf32> to vector<4x14xf32>
    %slice3A_912 = vector.extract_strided_slice %dot_general3A_887 {offsets = [0, 12, 0], sizes = [4, 1, 14], strides = [1, 1, 1]} : vector<4x14x14xf32> to vector<4x1x14xf32>
    %squeeze3A_913 = vector.shape_cast %slice3A_912 : vector<4x1x14xf32> to vector<4x14xf32>
    %slice3A_914 = vector.extract_strided_slice %dot_general3A_887 {offsets = [0, 13, 0], sizes = [4, 1, 14], strides = [1, 1, 1]} : vector<4x14x14xf32> to vector<4x1x14xf32>
    %squeeze3A_915 = vector.shape_cast %slice3A_914 : vector<4x1x14xf32> to vector<4x14xf32>
    %concatenate3A_916 = tpu.concatenate %squeeze3A_889, %squeeze3A_891, %squeeze3A_893, %squeeze3A_895, %squeeze3A_897, %squeeze3A_899, %squeeze3A_901, %squeeze3A_903, %squeeze3A_905, %squeeze3A_907, %squeeze3A_909, %squeeze3A_911, %squeeze3A_913, %squeeze3A_915 in 1 : vector<4x14xf32>, vector<4x14xf32>, vector<4x14xf32>, vector<4x14xf32>, vector<4x14xf32>, vector<4x14xf32>, vector<4x14xf32>, vector<4x14xf32>, vector<4x14xf32>, vector<4x14xf32>, vector<4x14xf32>, vector<4x14xf32>, vector<4x14xf32>, vector<4x14xf32> -> vector<4x196xf32>
    %get3A_917 = arith.constant 196 : index
    %get3A_918 = arith.constant 0 : index
    %get3A_919 = vector.load %arg3[%get3A_917, %get3A_918] : memref<588x2048xf32, #tpu.memory_space<vmem>>, vector<196x2048xf32>
    %dot_general3A_920 = arith.constant dense<0.000000e+00> : vector<4x2048xf32>
    %dot_general3A_921 = tpu.matmul %concatenate3A_916, %get3A_919, %dot_general3A_920 {dimension_numbers = #tpu.dot_dimension_numbers<[1], [0], [0], [1], [0, 0, 1, 1], [], []>, transpose_lhs_hint = false} : vector<4x196xf32>, vector<196x2048xf32>, vector<4x2048xf32> -> vector<4x2048xf32>
    %add3A_922 = arith.addf %dot_general3A_880, %dot_general3A_921 : vector<4x2048xf32>
    %slice3A_923 = vector.extract_strided_slice %get3A_802 {offsets = [0, 2, 0, 0], sizes = [4, 1, 224, 224], strides = [1, 1, 1, 1]} : vector<4x3x224x224xf32> to vector<4x1x224x224xf32>
    %squeeze3A_924 = vector.shape_cast %slice3A_923 : vector<4x1x224x224xf32> to vector<4x224x224xf32>
    %mul3A_925 = arith.mulf %squeeze3A_924, %dot_general3A_839 : vector<4x224x224xf32>
    %dot_general3A_926 = arith.constant dense<0.000000e+00> : vector<4x224x14xf32>
    %dot_general3A_927 = tpu.matmul %mul3A_925, %convert_element_type3A_62, %dot_general3A_926 {dimension_numbers = #tpu.dot_dimension_numbers<[1], [0], [0, 2], [1], [0, 0, 0, 2, 1, 1], [], []>, transpose_lhs_hint = false} : vector<4x224x224xf32>, vector<224x14xf32>, vector<4x224x14xf32> -> vector<4x224x14xf32>
    %dot_general3A_928 = arith.constant dense<0.000000e+00> : vector<4x14x14xf32>
    %dot_general3A_929 = tpu.matmul %dot_general3A_927, %convert_element_type3A_62, %dot_general3A_928 {dimension_numbers = #tpu.dot_dimension_numbers<[1], [0], [0, 2], [1], [0, 0, 0, 2, 1, 1], [], []>, transpose_lhs_hint = false} : vector<4x224x14xf32>, vector<224x14xf32>, vector<4x14x14xf32> -> vector<4x14x14xf32>
    %slice3A_930 = vector.extract_strided_slice %dot_general3A_929 {offsets = [0, 0, 0], sizes = [4, 1, 14], strides = [1, 1, 1]} : vector<4x14x14xf32> to vector<4x1x14xf32>
    %squeeze3A_931 = vector.shape_cast %slice3A_930 : vector<4x1x14xf32> to vector<4x14xf32>
    %slice3A_932 = vector.extract_strided_slice %dot_general3A_929 {offsets = [0, 1, 0], sizes = [4, 1, 14], strides = [1, 1, 1]} : vector<4x14x14xf32> to vector<4x1x14xf32>
    %squeeze3A_933 = vector.shape_cast %slice3A_932 : vector<4x1x14xf32> to vector<4x14xf32>
    %slice3A_934 = vector.extract_strided_slice %dot_general3A_929 {offsets = [0, 2, 0], sizes = [4, 1, 14], strides = [1, 1, 1]} : vector<4x14x14xf32> to vector<4x1x14xf32>
    %squeeze3A_935 = vector.shape_cast %slice3A_934 : vector<4x1x14xf32> to vector<4x14xf32>
    %slice3A_936 = vector.extract_strided_slice %dot_general3A_929 {offsets = [0, 3, 0], sizes = [4, 1, 14], strides = [1, 1, 1]} : vector<4x14x14xf32> to vector<4x1x14xf32>
    %squeeze3A_937 = vector.shape_cast %slice3A_936 : vector<4x1x14xf32> to vector<4x14xf32>
    %slice3A_938 = vector.extract_strided_slice %dot_general3A_929 {offsets = [0, 4, 0], sizes = [4, 1, 14], strides = [1, 1, 1]} : vector<4x14x14xf32> to vector<4x1x14xf32>
    %squeeze3A_939 = vector.shape_cast %slice3A_938 : vector<4x1x14xf32> to vector<4x14xf32>
    %slice3A_940 = vector.extract_strided_slice %dot_general3A_929 {offsets = [0, 5, 0], sizes = [4, 1, 14], strides = [1, 1, 1]} : vector<4x14x14xf32> to vector<4x1x14xf32>
    %squeeze3A_941 = vector.shape_cast %slice3A_940 : vector<4x1x14xf32> to vector<4x14xf32>
    %slice3A_942 = vector.extract_strided_slice %dot_general3A_929 {offsets = [0, 6, 0], sizes = [4, 1, 14], strides = [1, 1, 1]} : vector<4x14x14xf32> to vector<4x1x14xf32>
    %squeeze3A_943 = vector.shape_cast %slice3A_942 : vector<4x1x14xf32> to vector<4x14xf32>
    %slice3A_944 = vector.extract_strided_slice %dot_general3A_929 {offsets = [0, 7, 0], sizes = [4, 1, 14], strides = [1, 1, 1]} : vector<4x14x14xf32> to vector<4x1x14xf32>
    %squeeze3A_945 = vector.shape_cast %slice3A_944 : vector<4x1x14xf32> to vector<4x14xf32>
    %slice3A_946 = vector.extract_strided_slice %dot_general3A_929 {offsets = [0, 8, 0], sizes = [4, 1, 14], strides = [1, 1, 1]} : vector<4x14x14xf32> to vector<4x1x14xf32>
    %squeeze3A_947 = vector.shape_cast %slice3A_946 : vector<4x1x14xf32> to vector<4x14xf32>
    %slice3A_948 = vector.extract_strided_slice %dot_general3A_929 {offsets = [0, 9, 0], sizes = [4, 1, 14], strides = [1, 1, 1]} : vector<4x14x14xf32> to vector<4x1x14xf32>
    %squeeze3A_949 = vector.shape_cast %slice3A_948 : vector<4x1x14xf32> to vector<4x14xf32>
    %slice3A_950 = vector.extract_strided_slice %dot_general3A_929 {offsets = [0, 10, 0], sizes = [4, 1, 14], strides = [1, 1, 1]} : vector<4x14x14xf32> to vector<4x1x14xf32>
    %squeeze3A_951 = vector.shape_cast %slice3A_950 : vector<4x1x14xf32> to vector<4x14xf32>
    %slice3A_952 = vector.extract_strided_slice %dot_general3A_929 {offsets = [0, 11, 0], sizes = [4, 1, 14], strides = [1, 1, 1]} : vector<4x14x14xf32> to vector<4x1x14xf32>
    %squeeze3A_953 = vector.shape_cast %slice3A_952 : vector<4x1x14xf32> to vector<4x14xf32>
    %slice3A_954 = vector.extract_strided_slice %dot_general3A_929 {offsets = [0, 12, 0], sizes = [4, 1, 14], strides = [1, 1, 1]} : vector<4x14x14xf32> to vector<4x1x14xf32>
    %squeeze3A_955 = vector.shape_cast %slice3A_954 : vector<4x1x14xf32> to vector<4x14xf32>
    %slice3A_956 = vector.extract_strided_slice %dot_general3A_929 {offsets = [0, 13, 0], sizes = [4, 1, 14], strides = [1, 1, 1]} : vector<4x14x14xf32> to vector<4x1x14xf32>
    %squeeze3A_957 = vector.shape_cast %slice3A_956 : vector<4x1x14xf32> to vector<4x14xf32>
    %concatenate3A_958 = tpu.concatenate %squeeze3A_931, %squeeze3A_933, %squeeze3A_935, %squeeze3A_937, %squeeze3A_939, %squeeze3A_941, %squeeze3A_943, %squeeze3A_945, %squeeze3A_947, %squeeze3A_949, %squeeze3A_951, %squeeze3A_953, %squeeze3A_955, %squeeze3A_957 in 1 : vector<4x14xf32>, vector<4x14xf32>, vector<4x14xf32>, vector<4x14xf32>, vector<4x14xf32>, vector<4x14xf32>, vector<4x14xf32>, vector<4x14xf32>, vector<4x14xf32>, vector<4x14xf32>, vector<4x14xf32>, vector<4x14xf32>, vector<4x14xf32>, vector<4x14xf32> -> vector<4x196xf32>
    %get3A_959 = arith.constant 392 : index
    %get3A_960 = arith.constant 0 : index
    %get3A_961 = vector.load %arg3[%get3A_959, %get3A_960] : memref<588x2048xf32, #tpu.memory_space<vmem>>, vector<196x2048xf32>
    %dot_general3A_962 = arith.constant dense<0.000000e+00> : vector<4x2048xf32>
    %dot_general3A_963 = tpu.matmul %concatenate3A_958, %get3A_961, %dot_general3A_962 {dimension_numbers = #tpu.dot_dimension_numbers<[1], [0], [0], [1], [0, 0, 1, 1], [], []>, transpose_lhs_hint = false} : vector<4x196xf32>, vector<196x2048xf32>, vector<4x2048xf32> -> vector<4x2048xf32>
    %add3A_964 = arith.addf %add3A_922, %dot_general3A_963 : vector<4x2048xf32>
    %slice3A_965 = vector.extract_strided_slice %div3A_459 {offsets = [4, 256], sizes = [4, 256], strides = [1, 1]} : vector<8x561xf32> to vector<4x256xf32>
    %get3A_966 = arith.constant 0 : index
    %get3A_967 = arith.constant 0 : index
    %get3A_968 = arith.constant 0 : index
    %get3A_969 = arith.constant 0 : index
    %get3A_970 = vector.load %arg8[%get3A_966, %get3A_967, %get3A_968, %get3A_969] : memref<4x3x224x224xf32, #tpu.memory_space<vmem>>, vector<4x3x224x224xf32>
    %slice3A_971 = vector.extract_strided_slice %slice3A_965 {offsets = [0, 0], sizes = [4, 16], strides = [1, 1]} : vector<4x256xf32> to vector<4x16xf32>
    %slice3A_972 = vector.extract_strided_slice %slice3A_965 {offsets = [0, 16], sizes = [4, 16], strides = [1, 1]} : vector<4x256xf32> to vector<4x16xf32>
    %slice3A_973 = vector.extract_strided_slice %slice3A_965 {offsets = [0, 32], sizes = [4, 16], strides = [1, 1]} : vector<4x256xf32> to vector<4x16xf32>
    %slice3A_974 = vector.extract_strided_slice %slice3A_965 {offsets = [0, 48], sizes = [4, 16], strides = [1, 1]} : vector<4x256xf32> to vector<4x16xf32>
    %slice3A_975 = vector.extract_strided_slice %slice3A_965 {offsets = [0, 64], sizes = [4, 16], strides = [1, 1]} : vector<4x256xf32> to vector<4x16xf32>
    %slice3A_976 = vector.extract_strided_slice %slice3A_965 {offsets = [0, 80], sizes = [4, 16], strides = [1, 1]} : vector<4x256xf32> to vector<4x16xf32>
    %slice3A_977 = vector.extract_strided_slice %slice3A_965 {offsets = [0, 96], sizes = [4, 16], strides = [1, 1]} : vector<4x256xf32> to vector<4x16xf32>
    %slice3A_978 = vector.extract_strided_slice %slice3A_965 {offsets = [0, 112], sizes = [4, 16], strides = [1, 1]} : vector<4x256xf32> to vector<4x16xf32>
    %slice3A_979 = vector.extract_strided_slice %slice3A_965 {offsets = [0, 128], sizes = [4, 16], strides = [1, 1]} : vector<4x256xf32> to vector<4x16xf32>
    %slice3A_980 = vector.extract_strided_slice %slice3A_965 {offsets = [0, 144], sizes = [4, 16], strides = [1, 1]} : vector<4x256xf32> to vector<4x16xf32>
    %slice3A_981 = vector.extract_strided_slice %slice3A_965 {offsets = [0, 160], sizes = [4, 16], strides = [1, 1]} : vector<4x256xf32> to vector<4x16xf32>
    %slice3A_982 = vector.extract_strided_slice %slice3A_965 {offsets = [0, 176], sizes = [4, 16], strides = [1, 1]} : vector<4x256xf32> to vector<4x16xf32>
    %slice3A_983 = vector.extract_strided_slice %slice3A_965 {offsets = [0, 192], sizes = [4, 16], strides = [1, 1]} : vector<4x256xf32> to vector<4x16xf32>
    %slice3A_984 = vector.extract_strided_slice %slice3A_965 {offsets = [0, 208], sizes = [4, 16], strides = [1, 1]} : vector<4x256xf32> to vector<4x16xf32>
    %slice3A_985 = vector.extract_strided_slice %slice3A_965 {offsets = [0, 224], sizes = [4, 16], strides = [1, 1]} : vector<4x256xf32> to vector<4x16xf32>
    %slice3A_986 = vector.extract_strided_slice %slice3A_965 {offsets = [0, 240], sizes = [4, 16], strides = [1, 1]} : vector<4x256xf32> to vector<4x16xf32>
    %stack3A_987 = vector.shape_cast %slice3A_971 : vector<4x16xf32> to vector<4x1x16xf32>
    %stack3A_988 = vector.shape_cast %slice3A_972 : vector<4x16xf32> to vector<4x1x16xf32>
    %stack3A_989 = vector.shape_cast %slice3A_973 : vector<4x16xf32> to vector<4x1x16xf32>
    %stack3A_990 = vector.shape_cast %slice3A_974 : vector<4x16xf32> to vector<4x1x16xf32>
    %stack3A_991 = vector.shape_cast %slice3A_975 : vector<4x16xf32> to vector<4x1x16xf32>
    %stack3A_992 = vector.shape_cast %slice3A_976 : vector<4x16xf32> to vector<4x1x16xf32>
    %stack3A_993 = vector.shape_cast %slice3A_977 : vector<4x16xf32> to vector<4x1x16xf32>
    %stack3A_994 = vector.shape_cast %slice3A_978 : vector<4x16xf32> to vector<4x1x16xf32>
    %stack3A_995 = vector.shape_cast %slice3A_979 : vector<4x16xf32> to vector<4x1x16xf32>
    %stack3A_996 = vector.shape_cast %slice3A_980 : vector<4x16xf32> to vector<4x1x16xf32>
    %stack3A_997 = vector.shape_cast %slice3A_981 : vector<4x16xf32> to vector<4x1x16xf32>
    %stack3A_998 = vector.shape_cast %slice3A_982 : vector<4x16xf32> to vector<4x1x16xf32>
    %stack3A_999 = vector.shape_cast %slice3A_983 : vector<4x16xf32> to vector<4x1x16xf32>
    %stack3A_1000 = vector.shape_cast %slice3A_984 : vector<4x16xf32> to vector<4x1x16xf32>
    %stack3A_1001 = vector.shape_cast %slice3A_985 : vector<4x16xf32> to vector<4x1x16xf32>
    %stack3A_1002 = vector.shape_cast %slice3A_986 : vector<4x16xf32> to vector<4x1x16xf32>
    %stack3A_1003 = tpu.concatenate %stack3A_987, %stack3A_988, %stack3A_989, %stack3A_990, %stack3A_991, %stack3A_992, %stack3A_993, %stack3A_994, %stack3A_995, %stack3A_996, %stack3A_997, %stack3A_998, %stack3A_999, %stack3A_1000, %stack3A_1001, %stack3A_1002 in 1 : vector<4x1x16xf32>, vector<4x1x16xf32>, vector<4x1x16xf32>, vector<4x1x16xf32>, vector<4x1x16xf32>, vector<4x1x16xf32>, vector<4x1x16xf32>, vector<4x1x16xf32>, vector<4x1x16xf32>, vector<4x1x16xf32>, vector<4x1x16xf32>, vector<4x1x16xf32>, vector<4x1x16xf32>, vector<4x1x16xf32>, vector<4x1x16xf32>, vector<4x1x16xf32> -> vector<4x16x16xf32>
    %dot_general3A_1004 = arith.constant dense<0.000000e+00> : vector<4x16x224xf32>
    %dot_general3A_1005 = tpu.matmul %stack3A_1003, %convert_element_type3A_37, %dot_general3A_1004 {dimension_numbers = #tpu.dot_dimension_numbers<[1], [1], [0, 2], [0], [0, 0, 0, 2, 1, 0], [], []>, transpose_lhs_hint = false} : vector<4x16x16xf32>, vector<224x16xf32>, vector<4x16x224xf32> -> vector<4x16x224xf32>
    %dot_general3A_1006 = arith.constant dense<0.000000e+00> : vector<4x224x224xf32>
    %dot_general3A_1007 = tpu.matmul %dot_general3A_1005, %convert_element_type3A_37, %dot_general3A_1006 {dimension_numbers = #tpu.dot_dimension_numbers<[1], [1], [0, 2], [0], [0, 0, 0, 2, 1, 0], [], []>, transpose_lhs_hint = false} : vector<4x16x224xf32>, vector<224x16xf32>, vector<4x224x224xf32> -> vector<4x224x224xf32>
    %slice3A_1008 = vector.extract_strided_slice %get3A_970 {offsets = [0, 0, 0, 0], sizes = [4, 1, 224, 224], strides = [1, 1, 1, 1]} : vector<4x3x224x224xf32> to vector<4x1x224x224xf32>
    %squeeze3A_1009 = vector.shape_cast %slice3A_1008 : vector<4x1x224x224xf32> to vector<4x224x224xf32>
    %mul3A_1010 = arith.mulf %squeeze3A_1009, %dot_general3A_1007 : vector<4x224x224xf32>
    %dot_general3A_1011 = arith.constant dense<0.000000e+00> : vector<4x224x14xf32>
    %dot_general3A_1012 = tpu.matmul %mul3A_1010, %convert_element_type3A_62, %dot_general3A_1011 {dimension_numbers = #tpu.dot_dimension_numbers<[1], [0], [0, 2], [1], [0, 0, 0, 2, 1, 1], [], []>, transpose_lhs_hint = false} : vector<4x224x224xf32>, vector<224x14xf32>, vector<4x224x14xf32> -> vector<4x224x14xf32>
    %dot_general3A_1013 = arith.constant dense<0.000000e+00> : vector<4x14x14xf32>
    %dot_general3A_1014 = tpu.matmul %dot_general3A_1012, %convert_element_type3A_62, %dot_general3A_1013 {dimension_numbers = #tpu.dot_dimension_numbers<[1], [0], [0, 2], [1], [0, 0, 0, 2, 1, 1], [], []>, transpose_lhs_hint = false} : vector<4x224x14xf32>, vector<224x14xf32>, vector<4x14x14xf32> -> vector<4x14x14xf32>
    %slice3A_1015 = vector.extract_strided_slice %dot_general3A_1014 {offsets = [0, 0, 0], sizes = [4, 1, 14], strides = [1, 1, 1]} : vector<4x14x14xf32> to vector<4x1x14xf32>
    %squeeze3A_1016 = vector.shape_cast %slice3A_1015 : vector<4x1x14xf32> to vector<4x14xf32>
    %slice3A_1017 = vector.extract_strided_slice %dot_general3A_1014 {offsets = [0, 1, 0], sizes = [4, 1, 14], strides = [1, 1, 1]} : vector<4x14x14xf32> to vector<4x1x14xf32>
    %squeeze3A_1018 = vector.shape_cast %slice3A_1017 : vector<4x1x14xf32> to vector<4x14xf32>
    %slice3A_1019 = vector.extract_strided_slice %dot_general3A_1014 {offsets = [0, 2, 0], sizes = [4, 1, 14], strides = [1, 1, 1]} : vector<4x14x14xf32> to vector<4x1x14xf32>
    %squeeze3A_1020 = vector.shape_cast %slice3A_1019 : vector<4x1x14xf32> to vector<4x14xf32>
    %slice3A_1021 = vector.extract_strided_slice %dot_general3A_1014 {offsets = [0, 3, 0], sizes = [4, 1, 14], strides = [1, 1, 1]} : vector<4x14x14xf32> to vector<4x1x14xf32>
    %squeeze3A_1022 = vector.shape_cast %slice3A_1021 : vector<4x1x14xf32> to vector<4x14xf32>
    %slice3A_1023 = vector.extract_strided_slice %dot_general3A_1014 {offsets = [0, 4, 0], sizes = [4, 1, 14], strides = [1, 1, 1]} : vector<4x14x14xf32> to vector<4x1x14xf32>
    %squeeze3A_1024 = vector.shape_cast %slice3A_1023 : vector<4x1x14xf32> to vector<4x14xf32>
    %slice3A_1025 = vector.extract_strided_slice %dot_general3A_1014 {offsets = [0, 5, 0], sizes = [4, 1, 14], strides = [1, 1, 1]} : vector<4x14x14xf32> to vector<4x1x14xf32>
    %squeeze3A_1026 = vector.shape_cast %slice3A_1025 : vector<4x1x14xf32> to vector<4x14xf32>
    %slice3A_1027 = vector.extract_strided_slice %dot_general3A_1014 {offsets = [0, 6, 0], sizes = [4, 1, 14], strides = [1, 1, 1]} : vector<4x14x14xf32> to vector<4x1x14xf32>
    %squeeze3A_1028 = vector.shape_cast %slice3A_1027 : vector<4x1x14xf32> to vector<4x14xf32>
    %slice3A_1029 = vector.extract_strided_slice %dot_general3A_1014 {offsets = [0, 7, 0], sizes = [4, 1, 14], strides = [1, 1, 1]} : vector<4x14x14xf32> to vector<4x1x14xf32>
    %squeeze3A_1030 = vector.shape_cast %slice3A_1029 : vector<4x1x14xf32> to vector<4x14xf32>
    %slice3A_1031 = vector.extract_strided_slice %dot_general3A_1014 {offsets = [0, 8, 0], sizes = [4, 1, 14], strides = [1, 1, 1]} : vector<4x14x14xf32> to vector<4x1x14xf32>
    %squeeze3A_1032 = vector.shape_cast %slice3A_1031 : vector<4x1x14xf32> to vector<4x14xf32>
    %slice3A_1033 = vector.extract_strided_slice %dot_general3A_1014 {offsets = [0, 9, 0], sizes = [4, 1, 14], strides = [1, 1, 1]} : vector<4x14x14xf32> to vector<4x1x14xf32>
    %squeeze3A_1034 = vector.shape_cast %slice3A_1033 : vector<4x1x14xf32> to vector<4x14xf32>
    %slice3A_1035 = vector.extract_strided_slice %dot_general3A_1014 {offsets = [0, 10, 0], sizes = [4, 1, 14], strides = [1, 1, 1]} : vector<4x14x14xf32> to vector<4x1x14xf32>
    %squeeze3A_1036 = vector.shape_cast %slice3A_1035 : vector<4x1x14xf32> to vector<4x14xf32>
    %slice3A_1037 = vector.extract_strided_slice %dot_general3A_1014 {offsets = [0, 11, 0], sizes = [4, 1, 14], strides = [1, 1, 1]} : vector<4x14x14xf32> to vector<4x1x14xf32>
    %squeeze3A_1038 = vector.shape_cast %slice3A_1037 : vector<4x1x14xf32> to vector<4x14xf32>
    %slice3A_1039 = vector.extract_strided_slice %dot_general3A_1014 {offsets = [0, 12, 0], sizes = [4, 1, 14], strides = [1, 1, 1]} : vector<4x14x14xf32> to vector<4x1x14xf32>
    %squeeze3A_1040 = vector.shape_cast %slice3A_1039 : vector<4x1x14xf32> to vector<4x14xf32>
    %slice3A_1041 = vector.extract_strided_slice %dot_general3A_1014 {offsets = [0, 13, 0], sizes = [4, 1, 14], strides = [1, 1, 1]} : vector<4x14x14xf32> to vector<4x1x14xf32>
    %squeeze3A_1042 = vector.shape_cast %slice3A_1041 : vector<4x1x14xf32> to vector<4x14xf32>
    %concatenate3A_1043 = tpu.concatenate %squeeze3A_1016, %squeeze3A_1018, %squeeze3A_1020, %squeeze3A_1022, %squeeze3A_1024, %squeeze3A_1026, %squeeze3A_1028, %squeeze3A_1030, %squeeze3A_1032, %squeeze3A_1034, %squeeze3A_1036, %squeeze3A_1038, %squeeze3A_1040, %squeeze3A_1042 in 1 : vector<4x14xf32>, vector<4x14xf32>, vector<4x14xf32>, vector<4x14xf32>, vector<4x14xf32>, vector<4x14xf32>, vector<4x14xf32>, vector<4x14xf32>, vector<4x14xf32>, vector<4x14xf32>, vector<4x14xf32>, vector<4x14xf32>, vector<4x14xf32>, vector<4x14xf32> -> vector<4x196xf32>
    %get3A_1044 = arith.constant 0 : index
    %get3A_1045 = arith.constant 0 : index
    %get3A_1046 = vector.load %arg3[%get3A_1044, %get3A_1045] : memref<588x2048xf32, #tpu.memory_space<vmem>>, vector<196x2048xf32>
    %dot_general3A_1047 = arith.constant dense<0.000000e+00> : vector<4x2048xf32>
    %dot_general3A_1048 = tpu.matmul %concatenate3A_1043, %get3A_1046, %dot_general3A_1047 {dimension_numbers = #tpu.dot_dimension_numbers<[1], [0], [0], [1], [0, 0, 1, 1], [], []>, transpose_lhs_hint = false} : vector<4x196xf32>, vector<196x2048xf32>, vector<4x2048xf32> -> vector<4x2048xf32>
    %slice3A_1049 = vector.extract_strided_slice %get3A_970 {offsets = [0, 1, 0, 0], sizes = [4, 1, 224, 224], strides = [1, 1, 1, 1]} : vector<4x3x224x224xf32> to vector<4x1x224x224xf32>
    %squeeze3A_1050 = vector.shape_cast %slice3A_1049 : vector<4x1x224x224xf32> to vector<4x224x224xf32>
    %mul3A_1051 = arith.mulf %squeeze3A_1050, %dot_general3A_1007 : vector<4x224x224xf32>
    %dot_general3A_1052 = arith.constant dense<0.000000e+00> : vector<4x224x14xf32>
    %dot_general3A_1053 = tpu.matmul %mul3A_1051, %convert_element_type3A_62, %dot_general3A_1052 {dimension_numbers = #tpu.dot_dimension_numbers<[1], [0], [0, 2], [1], [0, 0, 0, 2, 1, 1], [], []>, transpose_lhs_hint = false} : vector<4x224x224xf32>, vector<224x14xf32>, vector<4x224x14xf32> -> vector<4x224x14xf32>
    %dot_general3A_1054 = arith.constant dense<0.000000e+00> : vector<4x14x14xf32>
    %dot_general3A_1055 = tpu.matmul %dot_general3A_1053, %convert_element_type3A_62, %dot_general3A_1054 {dimension_numbers = #tpu.dot_dimension_numbers<[1], [0], [0, 2], [1], [0, 0, 0, 2, 1, 1], [], []>, transpose_lhs_hint = false} : vector<4x224x14xf32>, vector<224x14xf32>, vector<4x14x14xf32> -> vector<4x14x14xf32>
    %slice3A_1056 = vector.extract_strided_slice %dot_general3A_1055 {offsets = [0, 0, 0], sizes = [4, 1, 14], strides = [1, 1, 1]} : vector<4x14x14xf32> to vector<4x1x14xf32>
    %squeeze3A_1057 = vector.shape_cast %slice3A_1056 : vector<4x1x14xf32> to vector<4x14xf32>
    %slice3A_1058 = vector.extract_strided_slice %dot_general3A_1055 {offsets = [0, 1, 0], sizes = [4, 1, 14], strides = [1, 1, 1]} : vector<4x14x14xf32> to vector<4x1x14xf32>
    %squeeze3A_1059 = vector.shape_cast %slice3A_1058 : vector<4x1x14xf32> to vector<4x14xf32>
    %slice3A_1060 = vector.extract_strided_slice %dot_general3A_1055 {offsets = [0, 2, 0], sizes = [4, 1, 14], strides = [1, 1, 1]} : vector<4x14x14xf32> to vector<4x1x14xf32>
    %squeeze3A_1061 = vector.shape_cast %slice3A_1060 : vector<4x1x14xf32> to vector<4x14xf32>
    %slice3A_1062 = vector.extract_strided_slice %dot_general3A_1055 {offsets = [0, 3, 0], sizes = [4, 1, 14], strides = [1, 1, 1]} : vector<4x14x14xf32> to vector<4x1x14xf32>
    %squeeze3A_1063 = vector.shape_cast %slice3A_1062 : vector<4x1x14xf32> to vector<4x14xf32>
    %slice3A_1064 = vector.extract_strided_slice %dot_general3A_1055 {offsets = [0, 4, 0], sizes = [4, 1, 14], strides = [1, 1, 1]} : vector<4x14x14xf32> to vector<4x1x14xf32>
    %squeeze3A_1065 = vector.shape_cast %slice3A_1064 : vector<4x1x14xf32> to vector<4x14xf32>
    %slice3A_1066 = vector.extract_strided_slice %dot_general3A_1055 {offsets = [0, 5, 0], sizes = [4, 1, 14], strides = [1, 1, 1]} : vector<4x14x14xf32> to vector<4x1x14xf32>
    %squeeze3A_1067 = vector.shape_cast %slice3A_1066 : vector<4x1x14xf32> to vector<4x14xf32>
    %slice3A_1068 = vector.extract_strided_slice %dot_general3A_1055 {offsets = [0, 6, 0], sizes = [4, 1, 14], strides = [1, 1, 1]} : vector<4x14x14xf32> to vector<4x1x14xf32>
    %squeeze3A_1069 = vector.shape_cast %slice3A_1068 : vector<4x1x14xf32> to vector<4x14xf32>
    %slice3A_1070 = vector.extract_strided_slice %dot_general3A_1055 {offsets = [0, 7, 0], sizes = [4, 1, 14], strides = [1, 1, 1]} : vector<4x14x14xf32> to vector<4x1x14xf32>
    %squeeze3A_1071 = vector.shape_cast %slice3A_1070 : vector<4x1x14xf32> to vector<4x14xf32>
    %slice3A_1072 = vector.extract_strided_slice %dot_general3A_1055 {offsets = [0, 8, 0], sizes = [4, 1, 14], strides = [1, 1, 1]} : vector<4x14x14xf32> to vector<4x1x14xf32>
    %squeeze3A_1073 = vector.shape_cast %slice3A_1072 : vector<4x1x14xf32> to vector<4x14xf32>
    %slice3A_1074 = vector.extract_strided_slice %dot_general3A_1055 {offsets = [0, 9, 0], sizes = [4, 1, 14], strides = [1, 1, 1]} : vector<4x14x14xf32> to vector<4x1x14xf32>
    %squeeze3A_1075 = vector.shape_cast %slice3A_1074 : vector<4x1x14xf32> to vector<4x14xf32>
    %slice3A_1076 = vector.extract_strided_slice %dot_general3A_1055 {offsets = [0, 10, 0], sizes = [4, 1, 14], strides = [1, 1, 1]} : vector<4x14x14xf32> to vector<4x1x14xf32>
    %squeeze3A_1077 = vector.shape_cast %slice3A_1076 : vector<4x1x14xf32> to vector<4x14xf32>
    %slice3A_1078 = vector.extract_strided_slice %dot_general3A_1055 {offsets = [0, 11, 0], sizes = [4, 1, 14], strides = [1, 1, 1]} : vector<4x14x14xf32> to vector<4x1x14xf32>
    %squeeze3A_1079 = vector.shape_cast %slice3A_1078 : vector<4x1x14xf32> to vector<4x14xf32>
    %slice3A_1080 = vector.extract_strided_slice %dot_general3A_1055 {offsets = [0, 12, 0], sizes = [4, 1, 14], strides = [1, 1, 1]} : vector<4x14x14xf32> to vector<4x1x14xf32>
    %squeeze3A_1081 = vector.shape_cast %slice3A_1080 : vector<4x1x14xf32> to vector<4x14xf32>
    %slice3A_1082 = vector.extract_strided_slice %dot_general3A_1055 {offsets = [0, 13, 0], sizes = [4, 1, 14], strides = [1, 1, 1]} : vector<4x14x14xf32> to vector<4x1x14xf32>
    %squeeze3A_1083 = vector.shape_cast %slice3A_1082 : vector<4x1x14xf32> to vector<4x14xf32>
    %concatenate3A_1084 = tpu.concatenate %squeeze3A_1057, %squeeze3A_1059, %squeeze3A_1061, %squeeze3A_1063, %squeeze3A_1065, %squeeze3A_1067, %squeeze3A_1069, %squeeze3A_1071, %squeeze3A_1073, %squeeze3A_1075, %squeeze3A_1077, %squeeze3A_1079, %squeeze3A_1081, %squeeze3A_1083 in 1 : vector<4x14xf32>, vector<4x14xf32>, vector<4x14xf32>, vector<4x14xf32>, vector<4x14xf32>, vector<4x14xf32>, vector<4x14xf32>, vector<4x14xf32>, vector<4x14xf32>, vector<4x14xf32>, vector<4x14xf32>, vector<4x14xf32>, vector<4x14xf32>, vector<4x14xf32> -> vector<4x196xf32>
    %get3A_1085 = arith.constant 196 : index
    %get3A_1086 = arith.constant 0 : index
    %get3A_1087 = vector.load %arg3[%get3A_1085, %get3A_1086] : memref<588x2048xf32, #tpu.memory_space<vmem>>, vector<196x2048xf32>
    %dot_general3A_1088 = arith.constant dense<0.000000e+00> : vector<4x2048xf32>
    %dot_general3A_1089 = tpu.matmul %concatenate3A_1084, %get3A_1087, %dot_general3A_1088 {dimension_numbers = #tpu.dot_dimension_numbers<[1], [0], [0], [1], [0, 0, 1, 1], [], []>, transpose_lhs_hint = false} : vector<4x196xf32>, vector<196x2048xf32>, vector<4x2048xf32> -> vector<4x2048xf32>
    %add3A_1090 = arith.addf %dot_general3A_1048, %dot_general3A_1089 : vector<4x2048xf32>
    %slice3A_1091 = vector.extract_strided_slice %get3A_970 {offsets = [0, 2, 0, 0], sizes = [4, 1, 224, 224], strides = [1, 1, 1, 1]} : vector<4x3x224x224xf32> to vector<4x1x224x224xf32>
    %squeeze3A_1092 = vector.shape_cast %slice3A_1091 : vector<4x1x224x224xf32> to vector<4x224x224xf32>
    %mul3A_1093 = arith.mulf %squeeze3A_1092, %dot_general3A_1007 : vector<4x224x224xf32>
    %dot_general3A_1094 = arith.constant dense<0.000000e+00> : vector<4x224x14xf32>
    %dot_general3A_1095 = tpu.matmul %mul3A_1093, %convert_element_type3A_62, %dot_general3A_1094 {dimension_numbers = #tpu.dot_dimension_numbers<[1], [0], [0, 2], [1], [0, 0, 0, 2, 1, 1], [], []>, transpose_lhs_hint = false} : vector<4x224x224xf32>, vector<224x14xf32>, vector<4x224x14xf32> -> vector<4x224x14xf32>
    %dot_general3A_1096 = arith.constant dense<0.000000e+00> : vector<4x14x14xf32>
    %dot_general3A_1097 = tpu.matmul %dot_general3A_1095, %convert_element_type3A_62, %dot_general3A_1096 {dimension_numbers = #tpu.dot_dimension_numbers<[1], [0], [0, 2], [1], [0, 0, 0, 2, 1, 1], [], []>, transpose_lhs_hint = false} : vector<4x224x14xf32>, vector<224x14xf32>, vector<4x14x14xf32> -> vector<4x14x14xf32>
    %slice3A_1098 = vector.extract_strided_slice %dot_general3A_1097 {offsets = [0, 0, 0], sizes = [4, 1, 14], strides = [1, 1, 1]} : vector<4x14x14xf32> to vector<4x1x14xf32>
    %squeeze3A_1099 = vector.shape_cast %slice3A_1098 : vector<4x1x14xf32> to vector<4x14xf32>
    %slice3A_1100 = vector.extract_strided_slice %dot_general3A_1097 {offsets = [0, 1, 0], sizes = [4, 1, 14], strides = [1, 1, 1]} : vector<4x14x14xf32> to vector<4x1x14xf32>
    %squeeze3A_1101 = vector.shape_cast %slice3A_1100 : vector<4x1x14xf32> to vector<4x14xf32>
    %slice3A_1102 = vector.extract_strided_slice %dot_general3A_1097 {offsets = [0, 2, 0], sizes = [4, 1, 14], strides = [1, 1, 1]} : vector<4x14x14xf32> to vector<4x1x14xf32>
    %squeeze3A_1103 = vector.shape_cast %slice3A_1102 : vector<4x1x14xf32> to vector<4x14xf32>
    %slice3A_1104 = vector.extract_strided_slice %dot_general3A_1097 {offsets = [0, 3, 0], sizes = [4, 1, 14], strides = [1, 1, 1]} : vector<4x14x14xf32> to vector<4x1x14xf32>
    %squeeze3A_1105 = vector.shape_cast %slice3A_1104 : vector<4x1x14xf32> to vector<4x14xf32>
    %slice3A_1106 = vector.extract_strided_slice %dot_general3A_1097 {offsets = [0, 4, 0], sizes = [4, 1, 14], strides = [1, 1, 1]} : vector<4x14x14xf32> to vector<4x1x14xf32>
    %squeeze3A_1107 = vector.shape_cast %slice3A_1106 : vector<4x1x14xf32> to vector<4x14xf32>
    %slice3A_1108 = vector.extract_strided_slice %dot_general3A_1097 {offsets = [0, 5, 0], sizes = [4, 1, 14], strides = [1, 1, 1]} : vector<4x14x14xf32> to vector<4x1x14xf32>
    %squeeze3A_1109 = vector.shape_cast %slice3A_1108 : vector<4x1x14xf32> to vector<4x14xf32>
    %slice3A_1110 = vector.extract_strided_slice %dot_general3A_1097 {offsets = [0, 6, 0], sizes = [4, 1, 14], strides = [1, 1, 1]} : vector<4x14x14xf32> to vector<4x1x14xf32>
    %squeeze3A_1111 = vector.shape_cast %slice3A_1110 : vector<4x1x14xf32> to vector<4x14xf32>
    %slice3A_1112 = vector.extract_strided_slice %dot_general3A_1097 {offsets = [0, 7, 0], sizes = [4, 1, 14], strides = [1, 1, 1]} : vector<4x14x14xf32> to vector<4x1x14xf32>
    %squeeze3A_1113 = vector.shape_cast %slice3A_1112 : vector<4x1x14xf32> to vector<4x14xf32>
    %slice3A_1114 = vector.extract_strided_slice %dot_general3A_1097 {offsets = [0, 8, 0], sizes = [4, 1, 14], strides = [1, 1, 1]} : vector<4x14x14xf32> to vector<4x1x14xf32>
    %squeeze3A_1115 = vector.shape_cast %slice3A_1114 : vector<4x1x14xf32> to vector<4x14xf32>
    %slice3A_1116 = vector.extract_strided_slice %dot_general3A_1097 {offsets = [0, 9, 0], sizes = [4, 1, 14], strides = [1, 1, 1]} : vector<4x14x14xf32> to vector<4x1x14xf32>
    %squeeze3A_1117 = vector.shape_cast %slice3A_1116 : vector<4x1x14xf32> to vector<4x14xf32>
    %slice3A_1118 = vector.extract_strided_slice %dot_general3A_1097 {offsets = [0, 10, 0], sizes = [4, 1, 14], strides = [1, 1, 1]} : vector<4x14x14xf32> to vector<4x1x14xf32>
    %squeeze3A_1119 = vector.shape_cast %slice3A_1118 : vector<4x1x14xf32> to vector<4x14xf32>
    %slice3A_1120 = vector.extract_strided_slice %dot_general3A_1097 {offsets = [0, 11, 0], sizes = [4, 1, 14], strides = [1, 1, 1]} : vector<4x14x14xf32> to vector<4x1x14xf32>
    %squeeze3A_1121 = vector.shape_cast %slice3A_1120 : vector<4x1x14xf32> to vector<4x14xf32>
    %slice3A_1122 = vector.extract_strided_slice %dot_general3A_1097 {offsets = [0, 12, 0], sizes = [4, 1, 14], strides = [1, 1, 1]} : vector<4x14x14xf32> to vector<4x1x14xf32>
    %squeeze3A_1123 = vector.shape_cast %slice3A_1122 : vector<4x1x14xf32> to vector<4x14xf32>
    %slice3A_1124 = vector.extract_strided_slice %dot_general3A_1097 {offsets = [0, 13, 0], sizes = [4, 1, 14], strides = [1, 1, 1]} : vector<4x14x14xf32> to vector<4x1x14xf32>
    %squeeze3A_1125 = vector.shape_cast %slice3A_1124 : vector<4x1x14xf32> to vector<4x14xf32>
    %concatenate3A_1126 = tpu.concatenate %squeeze3A_1099, %squeeze3A_1101, %squeeze3A_1103, %squeeze3A_1105, %squeeze3A_1107, %squeeze3A_1109, %squeeze3A_1111, %squeeze3A_1113, %squeeze3A_1115, %squeeze3A_1117, %squeeze3A_1119, %squeeze3A_1121, %squeeze3A_1123, %squeeze3A_1125 in 1 : vector<4x14xf32>, vector<4x14xf32>, vector<4x14xf32>, vector<4x14xf32>, vector<4x14xf32>, vector<4x14xf32>, vector<4x14xf32>, vector<4x14xf32>, vector<4x14xf32>, vector<4x14xf32>, vector<4x14xf32>, vector<4x14xf32>, vector<4x14xf32>, vector<4x14xf32> -> vector<4x196xf32>
    %get3A_1127 = arith.constant 392 : index
    %get3A_1128 = arith.constant 0 : index
    %get3A_1129 = vector.load %arg3[%get3A_1127, %get3A_1128] : memref<588x2048xf32, #tpu.memory_space<vmem>>, vector<196x2048xf32>
    %dot_general3A_1130 = arith.constant dense<0.000000e+00> : vector<4x2048xf32>
    %dot_general3A_1131 = tpu.matmul %concatenate3A_1126, %get3A_1129, %dot_general3A_1130 {dimension_numbers = #tpu.dot_dimension_numbers<[1], [0], [0], [1], [0, 0, 1, 1], [], []>, transpose_lhs_hint = false} : vector<4x196xf32>, vector<196x2048xf32>, vector<4x2048xf32> -> vector<4x2048xf32>
    %add3A_1132 = arith.addf %add3A_1090, %dot_general3A_1131 : vector<4x2048xf32>
    %add3A_1133 = arith.addf %add3A_964, %add3A_1132 : vector<4x2048xf32>
    %concatenate3A_1134 = tpu.concatenate %add3A_796, %add3A_1133 in 0 : vector<4x2048xf32>, vector<4x2048xf32> -> vector<8x2048xf32>
    %get3A_1135 = arith.constant 0 : index
    %get3A_1136 = arith.constant 0 : index
    %get3A_1137 = vector.load %arg14[%get3A_1135, %get3A_1136] : memref<192x2048xf32, #tpu.memory_space<vmem>>, vector<48x2048xf32>
    %slice3A_1138 = vector.extract_strided_slice %div3A_459 {offsets = [0, 512], sizes = [1, 48], strides = [1, 1]} : vector<8x561xf32> to vector<1x48xf32>
    %dot_general3A_1139 = arith.constant dense<0.000000e+00> : vector<1x2048xf32>
    %dot_general3A_1140 = tpu.matmul %slice3A_1138, %get3A_1137, %dot_general3A_1139 {dimension_numbers = #tpu.dot_dimension_numbers<[1], [0], [0], [1], [0, 0, 1, 1], [], []>, transpose_lhs_hint = false} : vector<1x48xf32>, vector<48x2048xf32>, vector<1x2048xf32> -> vector<1x2048xf32>
    %get3A_1141 = arith.constant 48 : index
    %get3A_1142 = arith.constant 0 : index
    %get3A_1143 = vector.load %arg14[%get3A_1141, %get3A_1142] : memref<192x2048xf32, #tpu.memory_space<vmem>>, vector<48x2048xf32>
    %slice3A_1144 = vector.extract_strided_slice %div3A_459 {offsets = [1, 512], sizes = [1, 48], strides = [1, 1]} : vector<8x561xf32> to vector<1x48xf32>
    %dot_general3A_1145 = arith.constant dense<0.000000e+00> : vector<1x2048xf32>
    %dot_general3A_1146 = tpu.matmul %slice3A_1144, %get3A_1143, %dot_general3A_1145 {dimension_numbers = #tpu.dot_dimension_numbers<[1], [0], [0], [1], [0, 0, 1, 1], [], []>, transpose_lhs_hint = false} : vector<1x48xf32>, vector<48x2048xf32>, vector<1x2048xf32> -> vector<1x2048xf32>
    %get3A_1147 = arith.constant 96 : index
    %get3A_1148 = arith.constant 0 : index
    %get3A_1149 = vector.load %arg14[%get3A_1147, %get3A_1148] : memref<192x2048xf32, #tpu.memory_space<vmem>>, vector<48x2048xf32>
    %slice3A_1150 = vector.extract_strided_slice %div3A_459 {offsets = [2, 512], sizes = [1, 48], strides = [1, 1]} : vector<8x561xf32> to vector<1x48xf32>
    %dot_general3A_1151 = arith.constant dense<0.000000e+00> : vector<1x2048xf32>
    %dot_general3A_1152 = tpu.matmul %slice3A_1150, %get3A_1149, %dot_general3A_1151 {dimension_numbers = #tpu.dot_dimension_numbers<[1], [0], [0], [1], [0, 0, 1, 1], [], []>, transpose_lhs_hint = false} : vector<1x48xf32>, vector<48x2048xf32>, vector<1x2048xf32> -> vector<1x2048xf32>
    %get3A_1153 = arith.constant 144 : index
    %get3A_1154 = arith.constant 0 : index
    %get3A_1155 = vector.load %arg14[%get3A_1153, %get3A_1154] : memref<192x2048xf32, #tpu.memory_space<vmem>>, vector<48x2048xf32>
    %slice3A_1156 = vector.extract_strided_slice %div3A_459 {offsets = [3, 512], sizes = [1, 48], strides = [1, 1]} : vector<8x561xf32> to vector<1x48xf32>
    %dot_general3A_1157 = arith.constant dense<0.000000e+00> : vector<1x2048xf32>
    %dot_general3A_1158 = tpu.matmul %slice3A_1156, %get3A_1155, %dot_general3A_1157 {dimension_numbers = #tpu.dot_dimension_numbers<[1], [0], [0], [1], [0, 0, 1, 1], [], []>, transpose_lhs_hint = false} : vector<1x48xf32>, vector<48x2048xf32>, vector<1x2048xf32> -> vector<1x2048xf32>
    %get3A_1159 = arith.constant 0 : index
    %get3A_1160 = arith.constant 0 : index
    %get3A_1161 = vector.load %arg14[%get3A_1159, %get3A_1160] : memref<192x2048xf32, #tpu.memory_space<vmem>>, vector<48x2048xf32>
    %slice3A_1162 = vector.extract_strided_slice %div3A_459 {offsets = [4, 512], sizes = [1, 48], strides = [1, 1]} : vector<8x561xf32> to vector<1x48xf32>
    %dot_general3A_1163 = arith.constant dense<0.000000e+00> : vector<1x2048xf32>
    %dot_general3A_1164 = tpu.matmul %slice3A_1162, %get3A_1161, %dot_general3A_1163 {dimension_numbers = #tpu.dot_dimension_numbers<[1], [0], [0], [1], [0, 0, 1, 1], [], []>, transpose_lhs_hint = false} : vector<1x48xf32>, vector<48x2048xf32>, vector<1x2048xf32> -> vector<1x2048xf32>
    %get3A_1165 = arith.constant 48 : index
    %get3A_1166 = arith.constant 0 : index
    %get3A_1167 = vector.load %arg14[%get3A_1165, %get3A_1166] : memref<192x2048xf32, #tpu.memory_space<vmem>>, vector<48x2048xf32>
    %slice3A_1168 = vector.extract_strided_slice %div3A_459 {offsets = [5, 512], sizes = [1, 48], strides = [1, 1]} : vector<8x561xf32> to vector<1x48xf32>
    %dot_general3A_1169 = arith.constant dense<0.000000e+00> : vector<1x2048xf32>
    %dot_general3A_1170 = tpu.matmul %slice3A_1168, %get3A_1167, %dot_general3A_1169 {dimension_numbers = #tpu.dot_dimension_numbers<[1], [0], [0], [1], [0, 0, 1, 1], [], []>, transpose_lhs_hint = false} : vector<1x48xf32>, vector<48x2048xf32>, vector<1x2048xf32> -> vector<1x2048xf32>
    %get3A_1171 = arith.constant 96 : index
    %get3A_1172 = arith.constant 0 : index
    %get3A_1173 = vector.load %arg14[%get3A_1171, %get3A_1172] : memref<192x2048xf32, #tpu.memory_space<vmem>>, vector<48x2048xf32>
    %slice3A_1174 = vector.extract_strided_slice %div3A_459 {offsets = [6, 512], sizes = [1, 48], strides = [1, 1]} : vector<8x561xf32> to vector<1x48xf32>
    %dot_general3A_1175 = arith.constant dense<0.000000e+00> : vector<1x2048xf32>
    %dot_general3A_1176 = tpu.matmul %slice3A_1174, %get3A_1173, %dot_general3A_1175 {dimension_numbers = #tpu.dot_dimension_numbers<[1], [0], [0], [1], [0, 0, 1, 1], [], []>, transpose_lhs_hint = false} : vector<1x48xf32>, vector<48x2048xf32>, vector<1x2048xf32> -> vector<1x2048xf32>
    %get3A_1177 = arith.constant 144 : index
    %get3A_1178 = arith.constant 0 : index
    %get3A_1179 = vector.load %arg14[%get3A_1177, %get3A_1178] : memref<192x2048xf32, #tpu.memory_space<vmem>>, vector<48x2048xf32>
    %slice3A_1180 = vector.extract_strided_slice %div3A_459 {offsets = [7, 512], sizes = [1, 48], strides = [1, 1]} : vector<8x561xf32> to vector<1x48xf32>
    %dot_general3A_1181 = arith.constant dense<0.000000e+00> : vector<1x2048xf32>
    %dot_general3A_1182 = tpu.matmul %slice3A_1180, %get3A_1179, %dot_general3A_1181 {dimension_numbers = #tpu.dot_dimension_numbers<[1], [0], [0], [1], [0, 0, 1, 1], [], []>, transpose_lhs_hint = false} : vector<1x48xf32>, vector<48x2048xf32>, vector<1x2048xf32> -> vector<1x2048xf32>
    %concatenate3A_1183 = tpu.concatenate %dot_general3A_1140, %dot_general3A_1146, %dot_general3A_1152, %dot_general3A_1158, %dot_general3A_1164, %dot_general3A_1170, %dot_general3A_1176, %dot_general3A_1182 in 0 : vector<1x2048xf32>, vector<1x2048xf32>, vector<1x2048xf32>, vector<1x2048xf32>, vector<1x2048xf32>, vector<1x2048xf32>, vector<1x2048xf32>, vector<1x2048xf32> -> vector<8x2048xf32>
    %dot_general3A_1184 = arith.constant dense<0.000000e+00> : vector<8x2048xf32>
    %dot_general3A_1185 = tpu.matmul %div3A_459, %get3A_404, %dot_general3A_1184 {dimension_numbers = #tpu.dot_dimension_numbers<[1], [0], [0], [1], [0, 0, 1, 1], [], []>, transpose_lhs_hint = false} : vector<8x561xf32>, vector<561x2048xf32>, vector<8x2048xf32> -> vector<8x2048xf32>
    %add3A_1186 = arith.addf %concatenate3A_1134, %concatenate3A_1183 : vector<8x2048xf32>
    %mul3A_1187 = arith.constant 45.2548332 : f32
    %mul3A_1188 = vector.broadcast %mul3A_1187 : f32 to vector<8x2048xf32>
    %mul3A_1189 = arith.mulf %add3A_1186, %mul3A_1188 : vector<8x2048xf32>
    %add3A_1190 = arith.addf %mul3A_1189, %dot_general3A_1185 : vector<8x2048xf32>
    %slice3A_1191 = vector.extract_strided_slice %div3A_459 {offsets = [0, 560], sizes = [8, 1], strides = [1, 1]} : vector<8x561xf32> to vector<8x1xf32>
    %get3A_1192 = arith.constant 0 : index
    %get3A_1193 = arith.constant 0 : index
    %get3A_1194 = vector.load %arg10[%get3A_1192, %get3A_1193] : memref<1x2048xf32, #tpu.memory_space<vmem>>, vector<1x2048xf32>
    %mul3A_1195 = vector.broadcast %slice3A_1191 : vector<8x1xf32> to vector<8x2048xf32>
    %mul3A_1196 = vector.broadcast %get3A_1194 : vector<1x2048xf32> to vector<8x2048xf32>
    %mul3A_1197 = arith.mulf %mul3A_1195, %mul3A_1196 : vector<8x2048xf32>
    %add3A_1198 = arith.addf %add3A_1190, %mul3A_1197 : vector<8x2048xf32>
    tpu.wait_dma2 semaphore(%arg18 : memref<!tpu.dma_semaphore, #tpu.memory_space<semaphore_mem>>) src(%arg11 : memref<2048x2048xf32, #tpu.memory_space<any>>) dst(%arg15 : memref<2048x2048xf32, #tpu.memory_space<vmem>>)
    %get3A_1199 = arith.constant 0 : index
    %get3A_1200 = arith.constant 0 : index
    %get3A_1201 = vector.load %arg15[%get3A_1199, %get3A_1200] : memref<2048x2048xf32, #tpu.memory_space<vmem>>, vector<2048x2048xf32>
    %dot_general3A_1202 = arith.constant dense<0.000000e+00> : vector<8x2048xf32>
    %dot_general3A_1203 = tpu.matmul %add3A_1198, %get3A_1201, %dot_general3A_1202 {dimension_numbers = #tpu.dot_dimension_numbers<[1], [0], [0], [1], [0, 0, 1, 1], [], []>, transpose_lhs_hint = false} : vector<8x2048xf32>, vector<2048x2048xf32>, vector<8x2048xf32> -> vector<8x2048xf32>
    %swap3A = arith.constant 0 : index
    %swap3A_1204 = arith.constant 0 : index
    %swap3A_1205 = vector.load %arg12[%swap3A, %swap3A_1204] : memref<8x2048xf32, #tpu.memory_space<vmem>>, vector<8x2048xf32>
    tpu.vector_store %arg12[%swap3A, %swap3A_1204], %dot_general3A_1203 {strides = array<i32>} : memref<8x2048xf32, #tpu.memory_space<vmem>>, vector<8x2048xf32>,
    return
  }
  func.func @transform_0(%arg0: i32) -> (i32, i32) {
    %c0_i32 = arith.constant 0 : i32
    %c0_i32_0 = arith.constant 0 : i32
    %c0_i32_1 = arith.constant 0 : i32
    return %c0_i32, %c0_i32_0 : i32, i32
  }
  func.func @transform_1(%arg0: i32) -> (i32, i32) {
    %c0_i32 = arith.constant 0 : i32
    %c0_i32_0 = arith.constant 0 : i32
    %c0_i32_1 = arith.constant 0 : i32
    return %c0_i32, %c0_i32_0 : i32, i32
  }
  func.func @transform_2(%arg0: i32) -> (i32, i32) {
    %c0_i32 = arith.constant 0 : i32
    %c0_i32_0 = arith.constant 0 : i32
    %c0_i32_1 = arith.constant 0 : i32
    return %c0_i32, %c0_i32_0 : i32, i32
  }
  func.func @transform_4(%arg0: i32) -> (i32, i32, i32, i32) {
    %c0_i32 = arith.constant 0 : i32
    %c0_i32_0 = arith.constant 0 : i32
    %c0_i32_1 = arith.constant 0 : i32
    %c0_i32_2 = arith.constant 0 : i32
    %c0_i32_3 = arith.constant 0 : i32
    return %c0_i32, %c0_i32_0, %c0_i32_1, %c0_i32_2 : i32, i32, i32, i32
  }
  func.func @transform_5(%arg0: i32) -> (i32, i32, i32, i32) {
    %c0_i32 = arith.constant 0 : i32
    %c0_i32_0 = arith.constant 0 : i32
    %c0_i32_1 = arith.constant 0 : i32
    %c0_i32_2 = arith.constant 0 : i32
    %c0_i32_3 = arith.constant 0 : i32
    return %c0_i32, %c0_i32_0, %c0_i32_1, %c0_i32_2 : i32, i32, i32, i32
  }
  func.func @transform_6(%arg0: i32) -> (i32, i32, i32, i32) {
    %c0_i32 = arith.constant 0 : i32
    %c0_i32_0 = arith.constant 0 : i32
    %c0_i32_1 = arith.constant 0 : i32
    %c0_i32_2 = arith.constant 0 : i32
    %c0_i32_3 = arith.constant 0 : i32
    return %c0_i32, %c0_i32_0, %c0_i32_1, %c0_i32_2 : i32, i32, i32, i32
  }
  func.func @transform_7(%arg0: i32) -> (i32, i32, i32, i32) {
    %c0_i32 = arith.constant 0 : i32
    %c0_i32_0 = arith.constant 0 : i32
    %c0_i32_1 = arith.constant 0 : i32
    %c0_i32_2 = arith.constant 0 : i32
    %c0_i32_3 = arith.constant 0 : i32
    return %c0_i32, %c0_i32_0, %c0_i32_1, %c0_i32_2 : i32, i32, i32, i32
  }
  func.func @transform_9(%arg0: i32) -> (i32, i32) {
    %c0_i32 = arith.constant 0 : i32
    %c0_i32_0 = arith.constant 0 : i32
    %c0_i32_1 = arith.constant 0 : i32
    return %c0_i32, %c0_i32_0 : i32, i32
  }
  func.func @transform_11(%arg0: i32) -> (i32, i32) {
    %c0_i32 = arith.constant 0 : i32
    %c0_i32_0 = arith.constant 0 : i32
    %c0_i32_1 = arith.constant 0 : i32
    return %c0_i32, %c0_i32_0 : i32, i32
  }
}

</mosaic_0001>

<sc_bundles>
// kernel: kernel.5.cloned.1.call-start
scs
__scs_entry_jumppad:
0x0: {  	(pc) =	sbr.rel $0x88, $3  }
0x1: {  	(tag) =	ssettag $0x0;
	lr =	simm.s32 $0x1  }
0x2: {  	[smem:$0x3F95] =	sst lr;
	_ =	strace $0xD0000000  }
0x3: {  	_ = 	snop  }
0x4: {  	_ = 	snop  }
0x5: {  	_ = 	snop  }
0x6: {  	_ = 	snop  }
0x7: {  	_ = 	snop  }
__scs_overlays_trampoline_lowered:
0x8: {  	[smem:$0x3FA4] =	sst s0  }
0x9: {  	[smem:$0x3FA5] =	sst s1  }
0xa: {  	[smem:$0x3FA6] =	sst s2  }
0xb: {  	[smem:$0x3FA7] =	sst s3  }
0xc: {  	[smem:$0x3FA8] =	sst s4  }
0xd: {  	[smem:$0x3FA9] =	sst s5  }
0xe: {  	[smem:$0x3FAA] =	sst s6  }
0xf: {  	[smem:$0x3FAB] =	sst s7  }
0x10: {  	[smem:$0x3FAC] =	sst s8  }
0x11: {  	[smem:$0x3FAD] =	sst s9;
	s0 =	simm.s32 @!p0 $0x0  }
0x12: {  	s1 =	sld [smem:$0x3F93];
	s0 =	simm.s32 @p0 $0x1  }
0x13: {  	[smem:$0x3FAE] =	sst s0;
	s0 =	simm.s32 @!p1 $0x0  }
0x14: {  	s2 =	sld [smem:$0x3F92];
	s0 =	simm.s32 @p1 $0x1  }
0x15: {  	[smem:$0x3FAF] =	sst s0;
	s0 =	simm.s32 @!p2 $0x0  }
0x16: {  	s3 =	sld [smem:$0x3FDB];
	s0 =	simm.s32 @p2 $0x1  }
0x17: {  	s4 =	simm.s32 $0x1BF5;
	[smem:$0x3FB1] =	sst s0  }
0x18: {  	s0 =	sld [smem:$0x3F94];
	_ =	swait.ge [sflag:s4], $0x0  }
0x19: {  	s7 =	sld [smem:$0x3F95]  }
0x1a: {  	s8 =	sadd.s32 $0xFFFFE003, lr  }
0x1b: {  	s9 =	sadd.s32 $0xFFFFFEF7, lr;
	s5 =	simm.s32 $0xFFFFFFFF;
	p2 =	slt.u32 s8, $0xFFFFF086  }
0x1c: {  	p1 =	slt.u32 s9, $0xF7A;
	s5 =	simm.s32 @!p2 $0x0  }
0x1d: {  	s5 =	simm.s32 @p1 $0x1;
	p0 =	seq.s32 s7, s2  }
0x1e: {  	s7 =	smul.u32 @!p0 $0xF7A, s2;
	p2 =	seq.s32 @!p0 s5, $0x0  }
0x1f: {  	s9 =	smul.u32 $0xF7A, s1;
	s8 =	simm.s32 @!p0 $0x1BF5;
	p2 =	por !p2, p0  }
0x20: {  	[sflag:s8] =	ssyncset.s32 @!p0 $0xFFFFF086;
	s6 =	sadd.s32 @!p0 s3, s7;
	s7 =	simm.s32 @!p0 $0x108  }
0x21: {  	s3 =	sadd.s32 s3, s9;
	s6 =	sadd.s32 @!p0 $0x88, s6;
	s7 =	simm.s32 @p2 $0x1082  }
0x22: {  	[simem:s7], [sflag:s8] =	dma.local @!p0 [hbm:s6], $0xF7A  }
0x23: {  	s9 =	sor.u32 $0xD0000000, s2;
	s6 =	simm.s32 $0x108;
	_ =	swait.ge @!p0 [sflag:s8], $0x0  }
0x24: {  	s3 =	sadd.s32 $0x88, s3;
	s6 =	simm.s32 @!p1 $0x1082;
	[sflag:s4] =	ssyncset.s32 $0xFFFFF086  }
0x25: {  	[simem:s6], [sflag:s4] =	dma.local [hbm:s3], $0xF7A  }
0x26: {  	[smem:$0x3F95] =	sst s1;
	(tag) =	ssettag s2;
	_ =	strace s9  }
0x27: {  	s1 =	sld [smem:$0x3FA5]  }
0x28: {  	s2 =	sld [smem:$0x3FA6]  }
0x29: {  	s4 =	sld [smem:$0x3FA8]  }
0x2a: {  	p0 =	seq.s32 s5, $0x0;
	s5 =	sld [smem:$0x3FA9]  }
0x2b: {  	s6 =	sld [smem:$0x3FAA]  }
0x2c: {  	s7 =	sld [smem:$0x3FAB]  }
0x2d: {  	s3 =	simm.s32 $0x108;
	s8 =	sld [smem:$0x3FAC]  }
0x2e: {  	s3 =	simm.s32 @!p0 $0x1082;
	s9 =	sld [smem:$0x3FAD]  }
0x2f: {  	lr =	sadd.s32 s0, s3;
	s0 =	sld [smem:$0x3FA4]  }
0x30: {  	s3 =	sld [smem:$0x3FA7]  }
0x31: {  	[smem:$0x3FB0] =	sst s10  }
0x32: {  	s10 =	sld [smem:$0x3FAE];
	_ =	sdelay $0x3  }
0x33: {  	p0 =	seq.s32 s10, $0x1;
	s10 =	sld [smem:$0x3FB0];
	_ =	sdelay $0x3  }
0x34: {  	[smem:$0x3FB0] =	sst s10  }
0x35: {  	s10 =	sld [smem:$0x3FAF];
	_ =	sdelay $0x3  }
0x36: {  	p1 =	seq.s32 s10, $0x1;
	s10 =	sld [smem:$0x3FB0];
	_ =	sdelay $0x3  }
0x37: {  	[smem:$0x3FB0] =	sst s10  }
0x38: {  	s10 =	sld [smem:$0x3FB1]  }
0x39: {  	_ = 	snop;
	(pc) =	sbr.ind lr, $3  }
0x3a: {  	_ = 	snop  }
0x3b: {  	_ = 	snop  }
0x3c: {  	p2 =	seq.s32 s10, $0x1;
	s10 =	sld [smem:$0x3FB0]  }
0x3d: {  	_ =	shalt  }
0x3e: {  	_ =	shalt  }
0x3f: {  	_ =	shalt  }
0x40: {  	_ =	shalt  }
0x41: {  	_ =	shalt  }
0x42: {  	_ =	shalt  }
0x43: {  	_ =	shalt  }
0x44: {  	_ =	shalt  }
0x45: {  	_ =	shalt  }
0x46: {  	_ =	shalt  }
0x47: {  	_ =	shalt  }
0x48: {  	_ =	shalt  }
0x49: {  	_ =	shalt  }
0x4a: {  	_ =	shalt  }
0x4b: {  	_ =	shalt  }
0x4c: {  	_ =	shalt  }
0x4d: {  	_ =	shalt  }
0x4e: {  	_ =	shalt  }
0x4f: {  	_ =	shalt  }
0x50: {  	_ =	shalt  }
0x51: {  	_ =	shalt  }
0x52: {  	_ =	shalt  }
0x53: {  	_ =	shalt  }
0x54: {  	_ =	shalt  }
0x55: {  	_ =	shalt  }
0x56: {  	_ =	shalt  }
0x57: {  	_ =	shalt  }
0x58: {  	_ =	shalt  }
0x59: {  	_ =	shalt  }
0x5a: {  	_ =	shalt  }
0x5b: {  	_ =	shalt  }
0x5c: {  	_ =	shalt  }
0x5d: {  	_ =	shalt  }
0x5e: {  	_ =	shalt  }
0x5f: {  	_ =	shalt  }
0x60: {  	_ =	shalt  }
0x61: {  	_ =	shalt  }
0x62: {  	_ =	shalt  }
0x63: {  	_ =	shalt  }
0x64: {  	_ =	shalt  }
0x65: {  	_ =	shalt  }
0x66: {  	_ =	shalt  }
0x67: {  	_ =	shalt  }
0x68: {  	_ =	shalt  }
0x69: {  	_ =	shalt  }
0x6a: {  	_ =	shalt  }
0x6b: {  	_ =	shalt  }
0x6c: {  	_ =	shalt  }
0x6d: {  	_ =	shalt  }
0x6e: {  	_ =	shalt  }
0x6f: {  	_ =	shalt  }
0x70: {  	_ =	shalt  }
0x71: {  	_ =	shalt  }
0x72: {  	_ =	shalt  }
0x73: {  	_ =	shalt  }
0x74: {  	_ =	shalt  }
0x75: {  	_ =	shalt  }
0x76: {  	_ =	shalt  }
0x77: {  	_ =	shalt  }
0x78: {  	_ =	shalt  }
0x79: {  	_ =	shalt  }
0x7a: {  	_ =	shalt  }
0x7b: {  	_ =	shalt  }
0x7c: {  	_ =	shalt  }
0x7d: {  	_ =	shalt  }
0x7e: {  	_ =	shalt  }
0x7f: {  	_ =	shalt  }
0x80: {  	_ =	shalt  }
0x81: {  	_ =	shalt  }
0x82: {  	_ =	shalt  }
0x83: {  	_ =	shalt  }
0x84: {  	_ =	shalt  }
0x85: {  	_ =	shalt  }
0x86: {  	_ =	shalt  }
0x87: {  	_ =	shalt  }
.Lfunc_end0:
.L_simem_size_0:
called_computation_lowered:
.L_overlay_start_0:
0x88: {  	s0 =	sld [smem:$0x3FD9]  }
0x89: {  	s1 =	sld [smem:$0x3FFE];
	_ =	sdelay $0x3  }
0x8a: {  	s0 =	sadd.s32 s1, s0  }
0x8b: {  	[smem:$0x3FBC] =	sst s0  }
0x8c: {  	_ = 	snop  }
0x8d: {  	s0 =	sld [smem:$0x3FC3]  }
0x8e: {  	s16 =	sld [smem:$0x3FD0];
	(tm) =	ssettm $0x1  }
0x8f: {  	s2 =	sld [smem:$0x3FFB];
	_ =	sdelay $0x3  }
0x90: {  	_ =	strace s2  }
0x91: {  	s2 =	sld [smem:$0x3FFC];
	_ =	sdelay $0x3  }
0x92: {  	_ =	strace s2  }
0x93: {  	s2 =	sld [smem:$0x3FFD];
	_ =	sdelay $0x3  }
0x94: {  	_ =	strace s2  }
0x95: {  	_ =	strace $0x8FFFFFFF  }
0x96: {  	s17 =	sld [smem:$0x3FDB];
	_ =	sdelay $0x1  }
0x97: {  	s3 =	simm.s32 $_scs_section_size  }
0x98: {  	s4 =	simm.s32 $_size__tile_overlayer_lowered;
	s5 =	simm.s32 $_tile_overlayer_lowered  }
0x99: {  	s20 =	simm.s32 $0x1BFF;
	s19 =	sshll.u32 s5, $0x1;
	s2 =	sadd.s32 s3, s17  }
0x9a: {  	s6 =	simm.s32 $0x0;
	s18 =	sshll.u32 s4, $0x1;
	s4 =	sadd.s32 s19, s2  }
0x9b: {  	[timem:s6], [sflag:s20] =	dma.local [hbm:s4], s18  }
0x9c: {  	_ =	swait.ge [sflag:s20], s18  }
0x9d: {  	s3 =	ssub.s32 $0x0, s18;
	[sflag:s20] =	ssyncset.done $0x0  }
0x9e: {  	[sflag:s20] =	ssyncadd.s32 s3;
	_ =	sdelay $0x1  }
0x9f: {  	s21 =	simm.s32 $0x1B8B  }
0xa0: {  	_ =	swait.ge [sflag:s21], $0x1  }
0xa1: {  	[sflag:s21] =	ssyncset.done $0x0  }
0xa2: {  	s23 =	simm.s32 $0x1B8E;
	s22 =	sld [smem:$0x3FFE];
	[sflag:s21] =	ssyncadd.s32 $0xFFFFFFFF  }
0xa3: {  	s24 =	simm.s32 $execute0_lowered;
	[smem:$0x3FD2] =	sst s23  }
0xa4: {  	s4 =	sshll.u32 s24, $0x1;
	_ =	strace $0x80000046;
	[dreg:$0x1] =	wrdreg $0xFFFFFFFF  }
0xa5: {  	s25 =	simm.s32 $_size_execute0_lowered;
	s2 =	sadd.s32 s2, s4;
	[dreg:$0x0] =	wrdreg $0x0  }
0xa6: {  	s4 =	sshll.u32 s25, $0x1;
	[dreg:$0x2] =	wrdreg s2  }
0xa7: {  	[dreg:$0x3] =	wrdreg s4  }
0xa8: {  	[dreg:$0x4] =	wrdreg $0xC0  }
0xa9: {  	_ =	task [dreg:s6], $0x5FFFF  }
0xaa: {  	[dreg:$0x1] =	wrdreg $0xFFFFFFFF  }
0xab: {  	[dreg:$0x0] =	wrdreg $0x60  }
0xac: {  	[dreg:$0x2] =	wrdreg s0  }
0xad: {  	[dreg:$0x3] =	wrdreg s16  }
0xae: {  	[dreg:$0x4] =	wrdreg s22  }
0xaf: {  	[dreg:$0x5] =	wrdreg $0x9  }
0xb0: {  	_ =	task.clear_ibuf [dreg:s6], $0x6FFFF;
	_ =	strace $0x90000046  }
0xb1: {  	s26 =	simm.s32 $0x9;
	_ =	strace $0x80000048  }
0xb2: {  	_ =	swait.ge [sflag:s26], $0x1  }
0xb3: {  	[sflag:s26] =	ssyncadd.s32 $0xFFFFFFFF  }
0xb4: {  	_ =	strace $0x90000048  }
0xb5: {  	_ =	sfence  }
0xb6: {  	s28 =	sld [smem:$0x0];
	_ =	sdelay $0x1  }
0xb7: {  	s29 =	srdreg.scid  }
0xb8: {  	s30 =	sshll.u32 s29, $0xD;
	s31 =	sshrl.u32 s29, $0x2  }
0xb9: {  	s1 =	sand.u32 $0x1, s29;
	s2 =	sand.u32 $0x4000, s30;
	s0 =	sadd.s32 s31, s28  }
0xba: {  	s1 =	sor.u32 s2, s1;
	s0 =	sshll.u32 s0, $0x11  }
0xbb: {  	s0 =	sor.u32 s0, s1  }
0xbc: {  	s0 =	sadd.s32 $0x8F2B, s0  }
0xbd: {  	[sflag:s0] =	ssyncadd.remote.s32 $0x1  }
0xbe: {  	_ =	sfence.sel $0xFFFF  }
0xbf: {  	[dreg:$0x0] =	wrdreg $0xFFFFFFFF;
	(pc) =	sbr.abs _section_cstart, $3  }
0xc0: {  	[dreg:$0x1] =	wrdreg $0xFFFFFFFF  }
0xc1: {  	_ =	task.clear_ibuf [dreg:s6], $0x2FFFF;
	_ =	strace $0x9FFFFFFF  }
0xc2: {  	(tm) =	ssettm $0x7FFFFFFF  }
0xc3: {  	_ =	shalt  }
tec
execute0_lowered:
.L_overlay_start_1:
0x0: {  	(tag) =	ssettag $0x1  }
0x1: {  	s1 =	stileid.u32  }
0x2: {  	p0 =	sgt.u32 s1, $0x5  }
.Ltmp0:
0x3: {  	s5 =	rddreg [dreg:$0x0];
	(pc) =	sbr.rel @p0 .LBB2_2-.Ltmp0, $4  }
0x4: {  	s4 =	rddreg [dreg:$0x1]  }
0x5: {  	s3 =	rddreg [dreg:$0x2];
	s2 =	simm.s32 $0x0  }
0x6: {  	[smem:$0x7FF] =	sst s2  }
0x7: {  	s0 =	rddreg [dreg:$0x3];
	_ =	strace $0x80000047  }
0x8: {  	s6 =	sshll.u32 s1, $0x2  }
0x9: {  	s4 =	sadd.s32 s4, s6  }
0xa: {  	[tilespmem:s2], [sflag:$0x2] =	stream.linear.gather [hbm4b:s4+s2], $0x20, $0x38;
	[tilespmem:$0x10080] =	vst v63  }
0xb: {  	s4 =	simm.s32 $0x2  }
0xc: {  	_ =	swait.ge [sflag:s4], $0x20  }
0xd: {  	[sflag:s4] =	ssyncset.done $0x0  }
0xe: {  	[sflag:s4] =	ssyncadd.s32 $0xFFFFFFE0  }
0xf: {  	v0 =	vld [tilespmem:$0x0];
	_ =	sdelay $0x4  }
0x10: {  	v1 =	vshll.u32 v0, $0x4  }
0x11: {  	v2 =	vlaneseq.u32;
	v0 =	vand.u32 $0x7, v0;
	v1 =	vand.u32 $0xFFFFFF80, v1  }
0x12: {  	v62 =	vand.u32 $0x7, v2;
	v3 =	vshrl.u32 v2, $0x3;
	v0 =	vor.u32 v0, v1  }
0x13: {  	v3 =	vmul.u32 $0x8, v3;
	v4 =	vperm.xlane v0, v62;
	_ =	sdelay $0x1  }
0x14: {  	v4 =	vadd.s32 v3, v4;
	_ =	sdelay $0x3  }
0x15: {  	vm0 =	vmmov $0xffff;
	s6 =	simm.s32 $0x80  }
0x16: {  	[tilespmem:s6], [sflag:$0x1] =	stream.indirect_vreg.gather [hbm4b:s5+s2], $0x80, v4, vm0, $0xb8;
	[tilespmem:$0x10080] =	vst v63  }
0x17: {  	s7 =	sadd.s32 $0x100, s5;
	s8 =	simm.s32 $0x880  }
0x18: {  	[tilespmem:s8], [sflag:$0x1] =	stream.indirect_vreg.gather [hbm4b:s7+s2], $0x80, v4, vm0, $0xb8;
	[tilespmem:$0x10080] =	vst v63  }
0x19: {  	s9 =	simm.s32 $0x1080;
	s8 =	sadd.s32 $0x200, s5  }
0x1a: {  	[tilespmem:s9], [sflag:$0x1] =	stream.indirect_vreg.gather [hbm4b:s8+s2], $0x80, v4, vm0, $0xb8;
	[tilespmem:$0x10080] =	vst v63  }
0x1b: {  	s10 =	simm.s32 $0x1880;
	s9 =	sadd.s32 $0x300, s5  }
0x1c: {  	[tilespmem:s10], [sflag:$0x1] =	stream.indirect_vreg.gather [hbm4b:s9+s2], $0x80, v4, vm0, $0xb8;
	[tilespmem:$0x10080] =	vst v63  }
0x1d: {  	s11 =	simm.s32 $0x2080;
	s10 =	sadd.s32 $0x400, s5  }
0x1e: {  	v2 =	vor.u32 $0x8, v2;
	[tilespmem:s11], [sflag:$0x1] =	stream.indirect_vreg.gather [hbm4b:s10+s2], $0x80, v4, vm0, $0xb8;
	[tilespmem:$0x10080] =	vst v63  }
0x1f: {  	s12 =	simm.s32 $0x2880;
	v0 =	vperm.xlane v0, v2;
	s11 =	sadd.s32 $0x500, s5  }
0x20: {  	[tilespmem:s12], [sflag:$0x1] =	stream.indirect_vreg.gather [hbm4b:s11+s2], $0x80, v4, vm0, $0xb8;
	[tilespmem:$0x10080] =	vst v63  }
0x21: {  	s13 =	simm.s32 $0x3080;
	v0 =	vadd.s32 v3, v0;
	s12 =	sadd.s32 $0x600, s5  }
0x22: {  	[tilespmem:s13], [sflag:$0x1] =	stream.indirect_vreg.gather [hbm4b:s12+s2], $0x80, v4, vm0, $0xb8;
	[tilespmem:$0x10080] =	vst v63  }
0x23: {  	s14 =	simm.s32 $0x3880;
	s13 =	sadd.s32 $0x700, s5  }
0x24: {  	[tilespmem:s14], [sflag:$0x1] =	stream.indirect_vreg.gather [hbm4b:s13+s2], $0x80, v4, vm0, $0xb8;
	[tilespmem:$0x10080] =	vst v63  }
0x25: {  	s21 =	simm.s32 $0x4080  }
0x26: {  	[tilespmem:s21], [sflag:$0x1] =	stream.indirect_vreg.gather [hbm4b:s5+s2], $0x80, v0, vm0, $0xb8;
	[tilespmem:$0x10080] =	vst v63  }
0x27: {  	s22 =	simm.s32 $0x4880  }
0x28: {  	[tilespmem:s22], [sflag:$0x1] =	stream.indirect_vreg.gather [hbm4b:s7+s2], $0x80, v0, vm0, $0xb8;
	[tilespmem:$0x10080] =	vst v63  }
0x29: {  	s23 =	simm.s32 $0x5080  }
0x2a: {  	[tilespmem:s23], [sflag:$0x1] =	stream.indirect_vreg.gather [hbm4b:s8+s2], $0x80, v0, vm0, $0xb8;
	[tilespmem:$0x10080] =	vst v63  }
0x2b: {  	s24 =	simm.s32 $0x5880  }
0x2c: {  	[tilespmem:s24], [sflag:$0x1] =	stream.indirect_vreg.gather [hbm4b:s9+s2], $0x80, v0, vm0, $0xb8;
	[tilespmem:$0x10080] =	vst v63  }
0x2d: {  	s25 =	simm.s32 $0x6080  }
0x2e: {  	[tilespmem:s25], [sflag:$0x1] =	stream.indirect_vreg.gather [hbm4b:s10+s2], $0x80, v0, vm0, $0xb8;
	[tilespmem:$0x10080] =	vst v63  }
0x2f: {  	s26 =	simm.s32 $0x6880  }
0x30: {  	[tilespmem:s26], [sflag:$0x1] =	stream.indirect_vreg.gather [hbm4b:s11+s2], $0x80, v0, vm0, $0xb8;
	[tilespmem:$0x10080] =	vst v63  }
0x31: {  	s28 =	simm.s32 $0x7080  }
0x32: {  	[tilespmem:s28], [sflag:$0x1] =	stream.indirect_vreg.gather [hbm4b:s12+s2], $0x80, v0, vm0, $0xb8;
	[tilespmem:$0x10080] =	vst v63  }
0x33: {  	s29 =	simm.s32 $0x7880  }
0x34: {  	[tilespmem:s29], [sflag:$0x1] =	stream.indirect_vreg.gather [hbm4b:s13+s2], $0x80, v0, vm0, $0xb8;
	[tilespmem:$0x10080] =	vst v63  }
0x35: {  	v0 =	vld [tilespmem:$0x10];
	_ =	sdelay $0x4  }
0x36: {  	v63 =	vshll.u32 v0, $0x4  }
0x37: {  	v0 =	vand.u32 $0x7, v0;
	v4 =	vand.u32 $0xFFFFFF80, v63  }
0x38: {  	v0 =	vor.u32 v0, v4  }
0x39: {  	v1 =	vperm.xlane v0, v62;
	_ =	sdelay $0x1  }
0x3a: {  	v1 =	vadd.s32 v3, v1;
	_ =	sdelay $0x3  }
0x3b: {  	s30 =	simm.s32 $0x8080  }
0x3c: {  	[tilespmem:s30], [sflag:$0x1] =	stream.indirect_vreg.gather [hbm4b:s5+s2], $0x80, v1, vm0, $0xb8;
	[tilespmem:$0x10080] =	vst v63  }
0x3d: {  	s31 =	simm.s32 $0x8880  }
0x3e: {  	[tilespmem:s31], [sflag:$0x1] =	stream.indirect_vreg.gather [hbm4b:s7+s2], $0x80, v1, vm0, $0xb8;
	[tilespmem:$0x10080] =	vst v63  }
0x3f: {  	s15 =	simm.s32 $0x9080  }
0x40: {  	[tilespmem:s15], [sflag:$0x1] =	stream.indirect_vreg.gather [hbm4b:s8+s2], $0x80, v1, vm0, $0xb8;
	[tilespmem:$0x10080] =	vst v63  }
0x41: {  	s16 =	simm.s32 $0x9880  }
0x42: {  	[tilespmem:s16], [sflag:$0x1] =	stream.indirect_vreg.gather [hbm4b:s9+s2], $0x80, v1, vm0, $0xb8;
	[tilespmem:$0x10080] =	vst v63  }
0x43: {  	s17 =	simm.s32 $0xA080  }
0x44: {  	[tilespmem:s17], [sflag:$0x1] =	stream.indirect_vreg.gather [hbm4b:s10+s2], $0x80, v1, vm0, $0xb8;
	[tilespmem:$0x10080] =	vst v63  }
0x45: {  	s18 =	simm.s32 $0xA880;
	v0 =	vperm.xlane v0, v2  }
0x46: {  	[tilespmem:s18], [sflag:$0x1] =	stream.indirect_vreg.gather [hbm4b:s11+s2], $0x80, v1, vm0, $0xb8;
	[tilespmem:$0x10080] =	vst v63  }
0x47: {  	s19 =	simm.s32 $0xB080;
	v0 =	vadd.s32 v3, v0  }
0x48: {  	[tilespmem:s19], [sflag:$0x1] =	stream.indirect_vreg.gather [hbm4b:s12+s2], $0x80, v1, vm0, $0xb8;
	[tilespmem:$0x10080] =	vst v63  }
0x49: {  	s20 =	simm.s32 $0xB880  }
0x4a: {  	[tilespmem:s20], [sflag:$0x1] =	stream.indirect_vreg.gather [hbm4b:s13+s2], $0x80, v1, vm0, $0xb8;
	[tilespmem:$0x10080] =	vst v63  }
0x4b: {  	s21 =	simm.s32 $0xC080  }
0x4c: {  	[tilespmem:s21], [sflag:$0x1] =	stream.indirect_vreg.gather [hbm4b:s5+s2], $0x80, v0, vm0, $0xb8;
	[tilespmem:$0x10080] =	vst v63  }
0x4d: {  	s22 =	simm.s32 $0xC880  }
0x4e: {  	[tilespmem:s22], [sflag:$0x1] =	stream.indirect_vreg.gather [hbm4b:s7+s2], $0x80, v0, vm0, $0xb8;
	[tilespmem:$0x10080] =	vst v63  }
0x4f: {  	s23 =	simm.s32 $0xD080  }
0x50: {  	[tilespmem:s23], [sflag:$0x1] =	stream.indirect_vreg.gather [hbm4b:s8+s2], $0x80, v0, vm0, $0xb8;
	[tilespmem:$0x10080] =	vst v63  }
0x51: {  	s24 =	simm.s32 $0xD880  }
0x52: {  	[tilespmem:s24], [sflag:$0x1] =	stream.indirect_vreg.gather [hbm4b:s9+s2], $0x80, v0, vm0, $0xb8;
	[tilespmem:$0x10080] =	vst v63  }
0x53: {  	s25 =	simm.s32 $0xE080  }
0x54: {  	[tilespmem:s25], [sflag:$0x1] =	stream.indirect_vreg.gather [hbm4b:s10+s2], $0x80, v0, vm0, $0xb8;
	[tilespmem:$0x10080] =	vst v63  }
0x55: {  	s26 =	simm.s32 $0xE880  }
0x56: {  	[tilespmem:s26], [sflag:$0x1] =	stream.indirect_vreg.gather [hbm4b:s11+s2], $0x80, v0, vm0, $0xb8;
	[tilespmem:$0x10080] =	vst v63  }
0x57: {  	s28 =	simm.s32 $0xF080  }
0x58: {  	[tilespmem:s28], [sflag:$0x1] =	stream.indirect_vreg.gather [hbm4b:s12+s2], $0x80, v0, vm0, $0xb8;
	[tilespmem:$0x10080] =	vst v63  }
0x59: {  	s29 =	simm.s32 $0xF880;
	s30 =	simm.s32 $0x1  }
0x5a: {  	[tilespmem:s29], [sflag:$0x1] =	stream.indirect_vreg.gather [hbm4b:s13+s2], $0x80, v0, vm0, $0xb8;
	[tilespmem:$0x10080] =	vst v63  }
0x5b: {  	_ =	swait.ge [sflag:s30], $0x10000  }
0x5c: {  	s3 =	sadd.s32 $0x1600, s3;
	s31 =	sshll.u32 s1, $0xD;
	[sflag:s30] =	ssyncset.done $0x0  }
0x5d: {  	s3 =	sadd.s32 s3, s31;
	[sflag:s30] =	ssyncadd.s32 $0xFFFF0000  }
0x5e: {  	[hbm4b:s3+s2] =	stream.linear.scatter [tilespmem:s6], [sflag:$0x2], $0x10000, $0x38;
	[tilespmem:$0x10080] =	vst v63  }
0x5f: {  	_ =	swait.ge [sflag:s4], $0x10000  }
0x60: {  	[sflag:s4] =	ssyncset.done $0x0  }
0x61: {  	[sflag:s4] =	ssyncadd.s32 $0xFFFF0000  }
.LBB2_2:
0x62: {  	_ =	sfence.sel $0x180000  }
0x63: {  	[bflag:$0x0] =	sbarrier.arrive $0xFFFF  }
0x64: {  	p0 =	sne.s32 s1, $0x0;
	_ =	strace $0x90000047  }
0x65: {  	s0 =	sadd.s32 @!p0 $0x100000, s0;
	[bflag:$0x2] =	sbarrier.arrive $0xFFFF  }
0x66: {  	[sflag:s0] =	ssyncadd.tile.s32 @!p0 $0x1;
	_ =	shalt  }
.Lfunc_end2:
_tile_overlayer_lowered:
.L_overlay_start_2:
0x67: {  	(tag) =	ssettag $0x2  }
0x68: {  	s0 =	rddreg [dreg:$0x0];
	s2 =	stileid.u32  }
0x69: {  	s1 =	rddreg [dreg:$0x1];
	p0 =	sne.s32 s2, $0x0  }
0x6a: {  	s3 =	rddreg [dreg:$0x2];
	[bflag:$0x3] =	sbarrier.arrive $0xFFFF;
	s2 =	simm.s32 @!p0 $0x1C02  }
0x6b: {  	[timem:s3], [sflag:s2] =	dma.local @!p0 [hbm:s0], s1  }
0x6c: {  	s0 =	simm.s32 @!p0 $0x2  }
0x6d: {  	_ =	swait.ge @!p0 [sflag:s0], s1  }
0x6e: {  	s1 =	ssub.s32 @!p0 $0x0, s1;
	[sflag:s0] =	ssyncset.done @!p0 $0x0  }
0x6f: {  	[sflag:s0] =	ssyncadd.s32 @!p0 s1  }
0x70: {  	[bflag:$0x3] =	sbarrier.arrive $0xFFFF  }
0x71: {  	_ =	shalt  }

</sc_bundles>
